<compile_context>
chip_gen: v7x
topology: tpu7x:2x2x1
jax: 0.10.2.dev20260603
libtpu: 0.0.44.dev20260713+nightly
codegen_flags: <defaults>
</compile_context>

<pallas_src>
import functools

import jax
import jax.numpy as jnp
from jax import lax
from jax.experimental import pallas as pl
from jax.experimental.pallas import tpu as pltpu
from jax.experimental.pallas import tpu_sc as plsc

N_CONFIGS = 26
MAX_CLUSTERS = 100000
EMBED_DIM = 32
BATCH = 16384

NC, NS = 2, 16
NW = NC * NS
N_ROWS = N_CONFIGS * EMBED_DIM
ROWS_PER_W = N_ROWS // NW
LANES = 16
OUT_CHUNK = 2048
N_OUT_CHUNK = BATCH // OUT_CHUNK


def _make_kernel():
    mesh = plsc.VectorSubcoreMesh(core_axis_name="c", subcore_axis_name="s")

    @functools.partial(
        pl.kernel,
        out_type=jax.ShapeDtypeStruct((N_ROWS, BATCH), jnp.float32),
        mesh=mesh,
        compiler_params=pltpu.CompilerParams(needs_layout_passes=False),
        scratch_types=[
            pltpu.VMEM((MAX_CLUSTERS,), jnp.float32),
            pltpu.VMEM((BATCH,), jnp.int32),
            pltpu.VMEM((2, OUT_CHUNK), jnp.float32),
            pltpu.SemaphoreType.DMA,
            pltpu.SemaphoreType.DMA,
        ],
    )
    def gather_kernel(t2_hbm, idx_hbm, out_hbm, row_v, idx_v, out_v,
                      wsem0, wsem1):
        wid = lax.axis_index("s") * NC + lax.axis_index("c")
        base = wid * ROWS_PER_W
        wsems = (wsem0, wsem1)

        def rowstep(k, prev_cfg):
            r = base + k
            cfg = lax.shift_right_logical(r, 5)

            @pl.when(jnp.logical_or(k == 0, cfg != prev_cfg))
            def _():
                pltpu.sync_copy(idx_hbm.at[cfg], idx_v)

            pltpu.sync_copy(t2_hbm.at[r], row_v)

            for c in range(N_OUT_CHUNK):
                b = c % 2
                drain = pltpu.make_async_copy(
                    out_v.at[b],
                    out_hbm.at[r, pl.ds(c * OUT_CHUNK, OUT_CHUNK)],
                    wsems[b])
                if c < 2:
                    @pl.when(k > 0)
                    def _():
                        drain.wait()
                else:
                    drain.wait()

                @plsc.parallel_loop(0, OUT_CHUNK, step=LANES, unroll=8)
                def g(o):
                    out_v[b, pl.ds(o, LANES)] = plsc.load_gather(
                        row_v, [idx_v[pl.ds(c * OUT_CHUNK + o, LANES)]])

                pltpu.async_copy(
                    out_v.at[b],
                    out_hbm.at[r, pl.ds(c * OUT_CHUNK, OUT_CHUNK)],
                    wsems[b])
            return cfg

        lax.fori_loop(0, ROWS_PER_W, rowstep, jnp.int32(-1))

        for b in range(2):
            pltpu.make_async_copy(
                out_v.at[b], out_hbm.at[base, pl.ds(0, OUT_CHUNK)],
                wsems[b]).wait()

    return gather_kernel


_GATHER = _make_kernel()


def kernel(cluster_assignments, tables):
    t2 = jnp.transpose(tables, (0, 2, 1)).reshape(N_ROWS, MAX_CLUSTERS)
    idx_t = jnp.transpose(cluster_assignments)
    out_t = _GATHER(t2, idx_t)
    return jnp.transpose(out_t.reshape(N_CONFIGS, EMBED_DIM, BATCH),
                         (2, 0, 1))

# --- scband reference (transcript-rebuilt; emitter-appended) ---
"""Pipeline reference for scband-cluster-assignment-embedder-661424963718 (READ-ONLY COPY).

The authoritative reference and input builder live on the scoring server;
editing this copy changes nothing except your own understanding.
"""

import jax, jax.numpy as jnp
import numpy as np

N_CONFIGS = 26
MAX_CLUSTERS = 100000
EMBED_DIM = 32
BATCH = 16384


def setup_inputs(seed: int = 0) -> dict:
    key = jax.random.key(seed)
    k1, k2 = jax.random.split(key)
    cluster_assignments = jax.random.randint(k1, (BATCH, N_CONFIGS), 0, MAX_CLUSTERS, dtype=jnp.int32)
    # Learned parameters: one [max_clusters, embed_dim] table per config, stacked.
    tables = jax.random.normal(k2, (N_CONFIGS, MAX_CLUSTERS, EMBED_DIM), dtype=jnp.float32) * 0.02
    return {"cluster_assignments": cluster_assignments, "tables": tables}


def reference(cluster_assignments, tables):
    # Faithful translation: per-config embedding lookup, then stack along dim=1.
    embeddings = []
    for i in range(N_CONFIGS):
        indices = cluster_assignments[:, i]
        emb = jnp.take(tables[i], indices, axis=0)
        embeddings.append(emb)
    return jnp.stack(embeddings, axis=1)

if __name__ == "__main__":
    import jax
    _d = setup_inputs()
    print(jax.jit(kernel)(*tuple(_d.values())))

</pallas_src>

<mosaic_0001>
#map = affine_map<(d0, d1) -> (0, 0)>
module attributes {stable_mosaic.version = 14 : i64} {
  func.func @gather_kernel(%arg0: i32, %arg1: i32, %arg2: memref<832x100000xf32, #tpu.memory_space<hbm>>, %arg3: memref<26x16384xi32, #tpu.memory_space<hbm>>, %arg4: memref<832x16384xf32, #tpu.memory_space<hbm>>, %arg5: memref<100000xf32, #tpu.memory_space<vmem>>, %arg6: memref<16384xi32, #tpu.memory_space<vmem>>, %arg7: memref<2x2048xf32, #tpu.memory_space<vmem>>, %arg8: memref<!tpu.dma_semaphore, #tpu.memory_space<semaphore_mem>>, %arg9: memref<!tpu.dma_semaphore, #tpu.memory_space<semaphore_mem>>) attributes {dimension_semantics = [#tpu.dimension_semantics<core_parallel>, #tpu.dimension_semantics<subcore_parallel>], iteration_bounds = array<i64: 2, 16>, scalar_prefetch = 0 : i64, scratch_operands = 5 : i64, tpu.core_type = #tpu.core_type<sc_vector_subcore>, window_params = [{transform_indices = #map}, {transform_indices = #map}, {transform_indices = #map}]} {
    %mul3A = arith.constant 2 : i32
    %mul3A_0 = arith.muli %arg1, %mul3A : i32
    %add3A = arith.addi %mul3A_0, %arg0 : i32
    %mul3A_1 = arith.constant 26 : i32
    %mul3A_2 = arith.muli %add3A, %mul3A_1 : i32
    %scan3A = arith.constant -1 : i32
    %scan3A_3 = arith.constant 0 : i32
    %scan3A_4 = arith.constant 26 : i32
    %scan3A_5 = arith.addi %scan3A_3, %scan3A_4 : i32
    %scan3A_6 = arith.constant 1 : i32
    %scan3A_7 = scf.for %scan3A_34 = %scan3A_3 to %scan3A_5 step %scan3A_6 iter_args(%scan3A_35 = %scan3A) -> (i32)  : i32 {
      %add3A_36 = arith.addi %mul3A_2, %scan3A_34 : i32
      %shift_right_logical3A = arith.constant 5 : i32
      %shift_right_logical3A_37 = arith.shrui %add3A_36, %shift_right_logical3A : i32
      %eq3A = arith.constant 0 : i32
      %eq3A_38 = arith.cmpi eq, %scan3A_34, %eq3A : i32
      %ne3A = arith.cmpi ne, %shift_right_logical3A_37, %scan3A_35 : i32
      %or3A = arith.ori %eq3A_38, %ne3A : i1
      %convert_element_type3A = arith.extui %or3A : i1 to i32
      %cond3A = arith.constant 0 : i32
      %cond3A_39 = arith.cmpi ne, %convert_element_type3A, %cond3A : i32
      scf.if %cond3A_39 {
        "tpu.region"() ({
          %run_scoped3A = tpu.sem_alloc : memref<!tpu.dma_semaphore, #tpu.memory_space<semaphore_mem>>
          %dma_start3A_255 = arith.constant 0 : i32
          %dma_start3A_256 = tpu.memref_slice %arg3[%shift_right_logical3A_37, %dma_start3A_255] : memref<26x16384xi32, #tpu.memory_space<hbm>> -> memref<1x16384xi32, #tpu.memory_space<hbm>>
          %dma_start3A_257 = tpu.memref_squeeze %dma_start3A_256 : memref<1x16384xi32, #tpu.memory_space<hbm>> -> memref<16384xi32, #tpu.memory_space<hbm>>
          %dma_start3A_258 = arith.constant 0 : i32
          %dma_start3A_259 = tpu.memref_slice %arg3[%shift_right_logical3A_37, %dma_start3A_258] : memref<26x16384xi32, #tpu.memory_space<hbm>> -> memref<1x16384xi32, #tpu.memory_space<hbm>>
          %dma_start3A_260 = tpu.memref_squeeze %dma_start3A_259 : memref<1x16384xi32, #tpu.memory_space<hbm>> -> memref<16384xi32, #tpu.memory_space<hbm>>
          tpu.enqueue_dma source(%dma_start3A_260 : memref<16384xi32, #tpu.memory_space<hbm>>) target(%arg6 : memref<16384xi32, #tpu.memory_space<vmem>>) target_semaphore(%run_scoped3A : memref<!tpu.dma_semaphore, #tpu.memory_space<semaphore_mem>>)
          %dma_wait3A_261 = arith.constant 0 : i32
          %dma_wait3A_262 = tpu.memref_slice %arg3[%shift_right_logical3A_37, %dma_wait3A_261] : memref<26x16384xi32, #tpu.memory_space<hbm>> -> memref<1x16384xi32, #tpu.memory_space<hbm>>
          %dma_wait3A_263 = tpu.memref_squeeze %dma_wait3A_262 : memref<1x16384xi32, #tpu.memory_space<hbm>> -> memref<16384xi32, #tpu.memory_space<hbm>>
          %dma_wait3A_264 = arith.constant 0 : i32
          %dma_wait3A_265 = tpu.memref_slice %arg3[%shift_right_logical3A_37, %dma_wait3A_264] : memref<26x16384xi32, #tpu.memory_space<hbm>> -> memref<1x16384xi32, #tpu.memory_space<hbm>>
          %dma_wait3A_266 = tpu.memref_squeeze %dma_wait3A_265 : memref<1x16384xi32, #tpu.memory_space<hbm>> -> memref<16384xi32, #tpu.memory_space<hbm>>
          tpu.wait_dma2 semaphore(%run_scoped3A : memref<!tpu.dma_semaphore, #tpu.memory_space<semaphore_mem>>) src(%dma_wait3A_266 : memref<16384xi32, #tpu.memory_space<hbm>>) dst(%arg6 : memref<16384xi32, #tpu.memory_space<vmem>>)
          tpu.yield
        }) : () -> ()
      } else {
      }
      "tpu.region"() ({
        %run_scoped3A = tpu.sem_alloc : memref<!tpu.dma_semaphore, #tpu.memory_space<semaphore_mem>>
        %dma_start3A_255 = arith.constant 0 : i32
        %dma_start3A_256 = tpu.memref_slice %arg2[%add3A_36, %dma_start3A_255] : memref<832x100000xf32, #tpu.memory_space<hbm>> -> memref<1x100000xf32, #tpu.memory_space<hbm>>
        %dma_start3A_257 = tpu.memref_squeeze %dma_start3A_256 : memref<1x100000xf32, #tpu.memory_space<hbm>> -> memref<100000xf32, #tpu.memory_space<hbm>>
        %dma_start3A_258 = arith.constant 0 : i32
        %dma_start3A_259 = tpu.memref_slice %arg2[%add3A_36, %dma_start3A_258] : memref<832x100000xf32, #tpu.memory_space<hbm>> -> memref<1x100000xf32, #tpu.memory_space<hbm>>
        %dma_start3A_260 = tpu.memref_squeeze %dma_start3A_259 : memref<1x100000xf32, #tpu.memory_space<hbm>> -> memref<100000xf32, #tpu.memory_space<hbm>>
        tpu.enqueue_dma source(%dma_start3A_260 : memref<100000xf32, #tpu.memory_space<hbm>>) target(%arg5 : memref<100000xf32, #tpu.memory_space<vmem>>) target_semaphore(%run_scoped3A : memref<!tpu.dma_semaphore, #tpu.memory_space<semaphore_mem>>)
        %dma_wait3A_261 = arith.constant 0 : i32
        %dma_wait3A_262 = tpu.memref_slice %arg2[%add3A_36, %dma_wait3A_261] : memref<832x100000xf32, #tpu.memory_space<hbm>> -> memref<1x100000xf32, #tpu.memory_space<hbm>>
        %dma_wait3A_263 = tpu.memref_squeeze %dma_wait3A_262 : memref<1x100000xf32, #tpu.memory_space<hbm>> -> memref<100000xf32, #tpu.memory_space<hbm>>
        %dma_wait3A_264 = arith.constant 0 : i32
        %dma_wait3A_265 = tpu.memref_slice %arg2[%add3A_36, %dma_wait3A_264] : memref<832x100000xf32, #tpu.memory_space<hbm>> -> memref<1x100000xf32, #tpu.memory_space<hbm>>
        %dma_wait3A_266 = tpu.memref_squeeze %dma_wait3A_265 : memref<1x100000xf32, #tpu.memory_space<hbm>> -> memref<100000xf32, #tpu.memory_space<hbm>>
        tpu.wait_dma2 semaphore(%run_scoped3A : memref<!tpu.dma_semaphore, #tpu.memory_space<semaphore_mem>>) src(%dma_wait3A_266 : memref<100000xf32, #tpu.memory_space<hbm>>) dst(%arg5 : memref<100000xf32, #tpu.memory_space<vmem>>)
        tpu.yield
      }) : () -> ()
      %gt3A = arith.constant 0 : i32
      %gt3A_40 = arith.cmpi sgt, %scan3A_34, %gt3A : i32
      %convert_element_type3A_41 = arith.extui %gt3A_40 : i1 to i32
      %cond3A_42 = arith.constant 0 : i32
      %cond3A_43 = arith.constant 0 : i32
      %cond3A_44 = arith.cmpi ne, %convert_element_type3A_41, %cond3A_43 : i32
      scf.if %cond3A_44 {
        %dma_wait3A_255 = arith.constant 0 : i32
        %dma_wait3A_256 = tpu.memref_slice %arg7[%cond3A_42, %dma_wait3A_255] : memref<2x2048xf32, #tpu.memory_space<vmem>> -> memref<1x2048xf32, #tpu.memory_space<vmem>>
        %dma_wait3A_257 = tpu.memref_squeeze %dma_wait3A_256 : memref<1x2048xf32, #tpu.memory_space<vmem>> -> memref<2048xf32, #tpu.memory_space<vmem>>
        %dma_wait3A_258 = arith.constant 0 : i32
        %dma_wait3A_259 = tpu.memref_slice %arg4[%add3A_36, %dma_wait3A_258] : memref<832x16384xf32, #tpu.memory_space<hbm>> -> memref<1x2048xf32, #tpu.memory_space<hbm>>
        %dma_wait3A_260 = tpu.memref_squeeze %dma_wait3A_259 : memref<1x2048xf32, #tpu.memory_space<hbm>> -> memref<2048xf32, #tpu.memory_space<hbm>>
        %dma_wait3A_261 = arith.constant 0 : i32
        %dma_wait3A_262 = tpu.memref_slice %arg4[%add3A_36, %dma_wait3A_261] : memref<832x16384xf32, #tpu.memory_space<hbm>> -> memref<1x2048xf32, #tpu.memory_space<hbm>>
        %dma_wait3A_263 = tpu.memref_squeeze %dma_wait3A_262 : memref<1x2048xf32, #tpu.memory_space<hbm>> -> memref<2048xf32, #tpu.memory_space<hbm>>
        %dma_wait3A_264 = arith.constant 0 : i32
        %dma_wait3A_265 = tpu.memref_slice %arg7[%cond3A_42, %dma_wait3A_264] : memref<2x2048xf32, #tpu.memory_space<vmem>> -> memref<1x2048xf32, #tpu.memory_space<vmem>>
        %dma_wait3A_266 = tpu.memref_squeeze %dma_wait3A_265 : memref<1x2048xf32, #tpu.memory_space<vmem>> -> memref<2048xf32, #tpu.memory_space<vmem>>
        tpu.wait_dma2 semaphore(%arg8 : memref<!tpu.dma_semaphore, #tpu.memory_space<semaphore_mem>>) src(%dma_wait3A_266 : memref<2048xf32, #tpu.memory_space<vmem>>) dst(%dma_wait3A_263 : memref<2048xf32, #tpu.memory_space<hbm>>)
      } else {
      }
      %parallel_loop3A = arith.constant 0 : i32
      %parallel_loop3A_45 = arith.constant 2048 : i32
      %parallel_loop3A_46 = arith.constant 16 : i32
      scf.for %parallel_loop3A_255 = %parallel_loop3A to %parallel_loop3A_45 step %parallel_loop3A_46  : i32 {
        %parallel_loop3A_256 = arith.constant 0 : i32
        %parallel_loop3A_257 = arith.addi %parallel_loop3A_256, %parallel_loop3A_255 : i32
        %parallel_loop3A_258 = arith.index_cast %parallel_loop3A_257 : i32 to index
        %parallel_loop3A_259 = tpu.vector_load %arg6[%parallel_loop3A_258] {strides = array<i32>} : memref<16384xi32, #tpu.memory_space<vmem>>, vector<16xi32>,
        %parallel_loop3A_260 = tpu.vector_load_idx %arg5[%parallel_loop3A_259] : memref<100000xf32, #tpu.memory_space<vmem>>[vector<16xi32>], vector<16xf32>,
        %parallel_loop3A_261 = arith.constant 0 : i32
        %parallel_loop3A_262 = arith.index_cast %parallel_loop3A_261 : i32 to index
        %parallel_loop3A_263 = arith.index_cast %parallel_loop3A_255 : i32 to index
        %parallel_loop3A_264 = tpu.vector_load %arg7[%parallel_loop3A_262, %parallel_loop3A_263] {strides = array<i32>} : memref<2x2048xf32, #tpu.memory_space<vmem>>, vector<16xf32>,
        tpu.vector_store %arg7[%parallel_loop3A_262, %parallel_loop3A_263], %parallel_loop3A_260 {strides = array<i32>} : memref<2x2048xf32, #tpu.memory_space<vmem>>, vector<16xf32>,
      } {sc.loop_unroll_factor = 8 : i64, sc.parallel_access}
      %dma_start3A = arith.constant 0 : i32
      %dma_start3A_47 = arith.constant 0 : i32
      %dma_start3A_48 = tpu.memref_slice %arg7[%dma_start3A, %dma_start3A_47] : memref<2x2048xf32, #tpu.memory_space<vmem>> -> memref<1x2048xf32, #tpu.memory_space<vmem>>
      %dma_start3A_49 = tpu.memref_squeeze %dma_start3A_48 : memref<1x2048xf32, #tpu.memory_space<vmem>> -> memref<2048xf32, #tpu.memory_space<vmem>>
      %dma_start3A_50 = arith.constant 0 : i32
      %dma_start3A_51 = tpu.memref_slice %arg4[%add3A_36, %dma_start3A_50] : memref<832x16384xf32, #tpu.memory_space<hbm>> -> memref<1x2048xf32, #tpu.memory_space<hbm>>
      %dma_start3A_52 = tpu.memref_squeeze %dma_start3A_51 : memref<1x2048xf32, #tpu.memory_space<hbm>> -> memref<2048xf32, #tpu.memory_space<hbm>>
      %dma_start3A_53 = arith.constant 0 : i32
      %dma_start3A_54 = tpu.memref_slice %arg4[%add3A_36, %dma_start3A_53] : memref<832x16384xf32, #tpu.memory_space<hbm>> -> memref<1x2048xf32, #tpu.memory_space<hbm>>
      %dma_start3A_55 = tpu.memref_squeeze %dma_start3A_54 : memref<1x2048xf32, #tpu.memory_space<hbm>> -> memref<2048xf32, #tpu.memory_space<hbm>>
      %dma_start3A_56 = arith.constant 0 : i32
      %dma_start3A_57 = tpu.memref_slice %arg7[%dma_start3A, %dma_start3A_56] : memref<2x2048xf32, #tpu.memory_space<vmem>> -> memref<1x2048xf32, #tpu.memory_space<vmem>>
      %dma_start3A_58 = tpu.memref_squeeze %dma_start3A_57 : memref<1x2048xf32, #tpu.memory_space<vmem>> -> memref<2048xf32, #tpu.memory_space<vmem>>
      tpu.enqueue_dma source(%dma_start3A_58 : memref<2048xf32, #tpu.memory_space<vmem>>) target(%dma_start3A_55 : memref<2048xf32, #tpu.memory_space<hbm>>) target_semaphore(%arg8 : memref<!tpu.dma_semaphore, #tpu.memory_space<semaphore_mem>>)
      %gt3A_59 = arith.constant 0 : i32
      %gt3A_60 = arith.cmpi sgt, %scan3A_34, %gt3A_59 : i32
      %convert_element_type3A_61 = arith.extui %gt3A_60 : i1 to i32
      %cond3A_62 = arith.constant 1 : i32
      %cond3A_63 = arith.constant 0 : i32
      %cond3A_64 = arith.cmpi ne, %convert_element_type3A_61, %cond3A_63 : i32
      scf.if %cond3A_64 {
        %dma_wait3A_255 = arith.constant 0 : i32
        %dma_wait3A_256 = tpu.memref_slice %arg7[%cond3A_62, %dma_wait3A_255] : memref<2x2048xf32, #tpu.memory_space<vmem>> -> memref<1x2048xf32, #tpu.memory_space<vmem>>
        %dma_wait3A_257 = tpu.memref_squeeze %dma_wait3A_256 : memref<1x2048xf32, #tpu.memory_space<vmem>> -> memref<2048xf32, #tpu.memory_space<vmem>>
        %dma_wait3A_258 = arith.constant 2048 : i32
        %dma_wait3A_259 = tpu.memref_slice %arg4[%add3A_36, %dma_wait3A_258] : memref<832x16384xf32, #tpu.memory_space<hbm>> -> memref<1x2048xf32, #tpu.memory_space<hbm>>
        %dma_wait3A_260 = tpu.memref_squeeze %dma_wait3A_259 : memref<1x2048xf32, #tpu.memory_space<hbm>> -> memref<2048xf32, #tpu.memory_space<hbm>>
        %dma_wait3A_261 = arith.constant 2048 : i32
        %dma_wait3A_262 = tpu.memref_slice %arg4[%add3A_36, %dma_wait3A_261] : memref<832x16384xf32, #tpu.memory_space<hbm>> -> memref<1x2048xf32, #tpu.memory_space<hbm>>
        %dma_wait3A_263 = tpu.memref_squeeze %dma_wait3A_262 : memref<1x2048xf32, #tpu.memory_space<hbm>> -> memref<2048xf32, #tpu.memory_space<hbm>>
        %dma_wait3A_264 = arith.constant 0 : i32
        %dma_wait3A_265 = tpu.memref_slice %arg7[%cond3A_62, %dma_wait3A_264] : memref<2x2048xf32, #tpu.memory_space<vmem>> -> memref<1x2048xf32, #tpu.memory_space<vmem>>
        %dma_wait3A_266 = tpu.memref_squeeze %dma_wait3A_265 : memref<1x2048xf32, #tpu.memory_space<vmem>> -> memref<2048xf32, #tpu.memory_space<vmem>>
        tpu.wait_dma2 semaphore(%arg9 : memref<!tpu.dma_semaphore, #tpu.memory_space<semaphore_mem>>) src(%dma_wait3A_266 : memref<2048xf32, #tpu.memory_space<vmem>>) dst(%dma_wait3A_263 : memref<2048xf32, #tpu.memory_space<hbm>>)
      } else {
      }
      %parallel_loop3A_65 = arith.constant 0 : i32
      %parallel_loop3A_66 = arith.constant 2048 : i32
      %parallel_loop3A_67 = arith.constant 16 : i32
      scf.for %parallel_loop3A_255 = %parallel_loop3A_65 to %parallel_loop3A_66 step %parallel_loop3A_67  : i32 {
        %parallel_loop3A_256 = arith.constant 2048 : i32
        %parallel_loop3A_257 = arith.addi %parallel_loop3A_256, %parallel_loop3A_255 : i32
        %parallel_loop3A_258 = arith.index_cast %parallel_loop3A_257 : i32 to index
        %parallel_loop3A_259 = tpu.vector_load %arg6[%parallel_loop3A_258] {strides = array<i32>} : memref<16384xi32, #tpu.memory_space<vmem>>, vector<16xi32>,
        %parallel_loop3A_260 = tpu.vector_load_idx %arg5[%parallel_loop3A_259] : memref<100000xf32, #tpu.memory_space<vmem>>[vector<16xi32>], vector<16xf32>,
        %parallel_loop3A_261 = arith.constant 1 : i32
        %parallel_loop3A_262 = arith.index_cast %parallel_loop3A_261 : i32 to index
        %parallel_loop3A_263 = arith.index_cast %parallel_loop3A_255 : i32 to index
        %parallel_loop3A_264 = tpu.vector_load %arg7[%parallel_loop3A_262, %parallel_loop3A_263] {strides = array<i32>} : memref<2x2048xf32, #tpu.memory_space<vmem>>, vector<16xf32>,
        tpu.vector_store %arg7[%parallel_loop3A_262, %parallel_loop3A_263], %parallel_loop3A_260 {strides = array<i32>} : memref<2x2048xf32, #tpu.memory_space<vmem>>, vector<16xf32>,
      } {sc.loop_unroll_factor = 8 : i64, sc.parallel_access}
      %dma_start3A_68 = arith.constant 1 : i32
      %dma_start3A_69 = arith.constant 0 : i32
      %dma_start3A_70 = tpu.memref_slice %arg7[%dma_start3A_68, %dma_start3A_69] : memref<2x2048xf32, #tpu.memory_space<vmem>> -> memref<1x2048xf32, #tpu.memory_space<vmem>>
      %dma_start3A_71 = tpu.memref_squeeze %dma_start3A_70 : memref<1x2048xf32, #tpu.memory_space<vmem>> -> memref<2048xf32, #tpu.memory_space<vmem>>
      %dma_start3A_72 = arith.constant 2048 : i32
      %dma_start3A_73 = tpu.memref_slice %arg4[%add3A_36, %dma_start3A_72] : memref<832x16384xf32, #tpu.memory_space<hbm>> -> memref<1x2048xf32, #tpu.memory_space<hbm>>
      %dma_start3A_74 = tpu.memref_squeeze %dma_start3A_73 : memref<1x2048xf32, #tpu.memory_space<hbm>> -> memref<2048xf32, #tpu.memory_space<hbm>>
      %dma_start3A_75 = arith.constant 2048 : i32
      %dma_start3A_76 = tpu.memref_slice %arg4[%add3A_36, %dma_start3A_75] : memref<832x16384xf32, #tpu.memory_space<hbm>> -> memref<1x2048xf32, #tpu.memory_space<hbm>>
      %dma_start3A_77 = tpu.memref_squeeze %dma_start3A_76 : memref<1x2048xf32, #tpu.memory_space<hbm>> -> memref<2048xf32, #tpu.memory_space<hbm>>
      %dma_start3A_78 = arith.constant 0 : i32
      %dma_start3A_79 = tpu.memref_slice %arg7[%dma_start3A_68, %dma_start3A_78] : memref<2x2048xf32, #tpu.memory_space<vmem>> -> memref<1x2048xf32, #tpu.memory_space<vmem>>
      %dma_start3A_80 = tpu.memref_squeeze %dma_start3A_79 : memref<1x2048xf32, #tpu.memory_space<vmem>> -> memref<2048xf32, #tpu.memory_space<vmem>>
      tpu.enqueue_dma source(%dma_start3A_80 : memref<2048xf32, #tpu.memory_space<vmem>>) target(%dma_start3A_77 : memref<2048xf32, #tpu.memory_space<hbm>>) target_semaphore(%arg9 : memref<!tpu.dma_semaphore, #tpu.memory_space<semaphore_mem>>)
      %dma_wait3A_81 = arith.constant 0 : i32
      %dma_wait3A_82 = arith.constant 0 : i32
      %dma_wait3A_83 = tpu.memref_slice %arg7[%dma_wait3A_81, %dma_wait3A_82] : memref<2x2048xf32, #tpu.memory_space<vmem>> -> memref<1x2048xf32, #tpu.memory_space<vmem>>
      %dma_wait3A_84 = tpu.memref_squeeze %dma_wait3A_83 : memref<1x2048xf32, #tpu.memory_space<vmem>> -> memref<2048xf32, #tpu.memory_space<vmem>>
      %dma_wait3A_85 = arith.constant 4096 : i32
      %dma_wait3A_86 = tpu.memref_slice %arg4[%add3A_36, %dma_wait3A_85] : memref<832x16384xf32, #tpu.memory_space<hbm>> -> memref<1x2048xf32, #tpu.memory_space<hbm>>
      %dma_wait3A_87 = tpu.memref_squeeze %dma_wait3A_86 : memref<1x2048xf32, #tpu.memory_space<hbm>> -> memref<2048xf32, #tpu.memory_space<hbm>>
      %dma_wait3A_88 = arith.constant 4096 : i32
      %dma_wait3A_89 = tpu.memref_slice %arg4[%add3A_36, %dma_wait3A_88] : memref<832x16384xf32, #tpu.memory_space<hbm>> -> memref<1x2048xf32, #tpu.memory_space<hbm>>
      %dma_wait3A_90 = tpu.memref_squeeze %dma_wait3A_89 : memref<1x2048xf32, #tpu.memory_space<hbm>> -> memref<2048xf32, #tpu.memory_space<hbm>>
      %dma_wait3A_91 = arith.constant 0 : i32
      %dma_wait3A_92 = tpu.memref_slice %arg7[%dma_wait3A_81, %dma_wait3A_91] : memref<2x2048xf32, #tpu.memory_space<vmem>> -> memref<1x2048xf32, #tpu.memory_space<vmem>>
      %dma_wait3A_93 = tpu.memref_squeeze %dma_wait3A_92 : memref<1x2048xf32, #tpu.memory_space<vmem>> -> memref<2048xf32, #tpu.memory_space<vmem>>
      tpu.wait_dma2 semaphore(%arg8 : memref<!tpu.dma_semaphore, #tpu.memory_space<semaphore_mem>>) src(%dma_wait3A_93 : memref<2048xf32, #tpu.memory_space<vmem>>) dst(%dma_wait3A_90 : memref<2048xf32, #tpu.memory_space<hbm>>)
      %parallel_loop3A_94 = arith.constant 0 : i32
      %parallel_loop3A_95 = arith.constant 2048 : i32
      %parallel_loop3A_96 = arith.constant 16 : i32
      scf.for %parallel_loop3A_255 = %parallel_loop3A_94 to %parallel_loop3A_95 step %parallel_loop3A_96  : i32 {
        %parallel_loop3A_256 = arith.constant 4096 : i32
        %parallel_loop3A_257 = arith.addi %parallel_loop3A_256, %parallel_loop3A_255 : i32
        %parallel_loop3A_258 = arith.index_cast %parallel_loop3A_257 : i32 to index
        %parallel_loop3A_259 = tpu.vector_load %arg6[%parallel_loop3A_258] {strides = array<i32>} : memref<16384xi32, #tpu.memory_space<vmem>>, vector<16xi32>,
        %parallel_loop3A_260 = tpu.vector_load_idx %arg5[%parallel_loop3A_259] : memref<100000xf32, #tpu.memory_space<vmem>>[vector<16xi32>], vector<16xf32>,
        %parallel_loop3A_261 = arith.constant 0 : i32
        %parallel_loop3A_262 = arith.index_cast %parallel_loop3A_261 : i32 to index
        %parallel_loop3A_263 = arith.index_cast %parallel_loop3A_255 : i32 to index
        %parallel_loop3A_264 = tpu.vector_load %arg7[%parallel_loop3A_262, %parallel_loop3A_263] {strides = array<i32>} : memref<2x2048xf32, #tpu.memory_space<vmem>>, vector<16xf32>,
        tpu.vector_store %arg7[%parallel_loop3A_262, %parallel_loop3A_263], %parallel_loop3A_260 {strides = array<i32>} : memref<2x2048xf32, #tpu.memory_space<vmem>>, vector<16xf32>,
      } {sc.loop_unroll_factor = 8 : i64, sc.parallel_access}
      %dma_start3A_97 = arith.constant 0 : i32
      %dma_start3A_98 = arith.constant 0 : i32
      %dma_start3A_99 = tpu.memref_slice %arg7[%dma_start3A_97, %dma_start3A_98] : memref<2x2048xf32, #tpu.memory_space<vmem>> -> memref<1x2048xf32, #tpu.memory_space<vmem>>
      %dma_start3A_100 = tpu.memref_squeeze %dma_start3A_99 : memref<1x2048xf32, #tpu.memory_space<vmem>> -> memref<2048xf32, #tpu.memory_space<vmem>>
      %dma_start3A_101 = arith.constant 4096 : i32
      %dma_start3A_102 = tpu.memref_slice %arg4[%add3A_36, %dma_start3A_101] : memref<832x16384xf32, #tpu.memory_space<hbm>> -> memref<1x2048xf32, #tpu.memory_space<hbm>>
      %dma_start3A_103 = tpu.memref_squeeze %dma_start3A_102 : memref<1x2048xf32, #tpu.memory_space<hbm>> -> memref<2048xf32, #tpu.memory_space<hbm>>
      %dma_start3A_104 = arith.constant 4096 : i32
      %dma_start3A_105 = tpu.memref_slice %arg4[%add3A_36, %dma_start3A_104] : memref<832x16384xf32, #tpu.memory_space<hbm>> -> memref<1x2048xf32, #tpu.memory_space<hbm>>
      %dma_start3A_106 = tpu.memref_squeeze %dma_start3A_105 : memref<1x2048xf32, #tpu.memory_space<hbm>> -> memref<2048xf32, #tpu.memory_space<hbm>>
      %dma_start3A_107 = arith.constant 0 : i32
      %dma_start3A_108 = tpu.memref_slice %arg7[%dma_start3A_97, %dma_start3A_107] : memref<2x2048xf32, #tpu.memory_space<vmem>> -> memref<1x2048xf32, #tpu.memory_space<vmem>>
      %dma_start3A_109 = tpu.memref_squeeze %dma_start3A_108 : memref<1x2048xf32, #tpu.memory_space<vmem>> -> memref<2048xf32, #tpu.memory_space<vmem>>
      tpu.enqueue_dma source(%dma_start3A_109 : memref<2048xf32, #tpu.memory_space<vmem>>) target(%dma_start3A_106 : memref<2048xf32, #tpu.memory_space<hbm>>) target_semaphore(%arg8 : memref<!tpu.dma_semaphore, #tpu.memory_space<semaphore_mem>>)
      %dma_wait3A_110 = arith.constant 1 : i32
      %dma_wait3A_111 = arith.constant 0 : i32
      %dma_wait3A_112 = tpu.memref_slice %arg7[%dma_wait3A_110, %dma_wait3A_111] : memref<2x2048xf32, #tpu.memory_space<vmem>> -> memref<1x2048xf32, #tpu.memory_space<vmem>>
      %dma_wait3A_113 = tpu.memref_squeeze %dma_wait3A_112 : memref<1x2048xf32, #tpu.memory_space<vmem>> -> memref<2048xf32, #tpu.memory_space<vmem>>
      %dma_wait3A_114 = arith.constant 6144 : i32
      %dma_wait3A_115 = tpu.memref_slice %arg4[%add3A_36, %dma_wait3A_114] : memref<832x16384xf32, #tpu.memory_space<hbm>> -> memref<1x2048xf32, #tpu.memory_space<hbm>>
      %dma_wait3A_116 = tpu.memref_squeeze %dma_wait3A_115 : memref<1x2048xf32, #tpu.memory_space<hbm>> -> memref<2048xf32, #tpu.memory_space<hbm>>
      %dma_wait3A_117 = arith.constant 6144 : i32
      %dma_wait3A_118 = tpu.memref_slice %arg4[%add3A_36, %dma_wait3A_117] : memref<832x16384xf32, #tpu.memory_space<hbm>> -> memref<1x2048xf32, #tpu.memory_space<hbm>>
      %dma_wait3A_119 = tpu.memref_squeeze %dma_wait3A_118 : memref<1x2048xf32, #tpu.memory_space<hbm>> -> memref<2048xf32, #tpu.memory_space<hbm>>
      %dma_wait3A_120 = arith.constant 0 : i32
      %dma_wait3A_121 = tpu.memref_slice %arg7[%dma_wait3A_110, %dma_wait3A_120] : memref<2x2048xf32, #tpu.memory_space<vmem>> -> memref<1x2048xf32, #tpu.memory_space<vmem>>
      %dma_wait3A_122 = tpu.memref_squeeze %dma_wait3A_121 : memref<1x2048xf32, #tpu.memory_space<vmem>> -> memref<2048xf32, #tpu.memory_space<vmem>>
      tpu.wait_dma2 semaphore(%arg9 : memref<!tpu.dma_semaphore, #tpu.memory_space<semaphore_mem>>) src(%dma_wait3A_122 : memref<2048xf32, #tpu.memory_space<vmem>>) dst(%dma_wait3A_119 : memref<2048xf32, #tpu.memory_space<hbm>>)
      %parallel_loop3A_123 = arith.constant 0 : i32
      %parallel_loop3A_124 = arith.constant 2048 : i32
      %parallel_loop3A_125 = arith.constant 16 : i32
      scf.for %parallel_loop3A_255 = %parallel_loop3A_123 to %parallel_loop3A_124 step %parallel_loop3A_125  : i32 {
        %parallel_loop3A_256 = arith.constant 6144 : i32
        %parallel_loop3A_257 = arith.addi %parallel_loop3A_256, %parallel_loop3A_255 : i32
        %parallel_loop3A_258 = arith.index_cast %parallel_loop3A_257 : i32 to index
        %parallel_loop3A_259 = tpu.vector_load %arg6[%parallel_loop3A_258] {strides = array<i32>} : memref<16384xi32, #tpu.memory_space<vmem>>, vector<16xi32>,
        %parallel_loop3A_260 = tpu.vector_load_idx %arg5[%parallel_loop3A_259] : memref<100000xf32, #tpu.memory_space<vmem>>[vector<16xi32>], vector<16xf32>,
        %parallel_loop3A_261 = arith.constant 1 : i32
        %parallel_loop3A_262 = arith.index_cast %parallel_loop3A_261 : i32 to index
        %parallel_loop3A_263 = arith.index_cast %parallel_loop3A_255 : i32 to index
        %parallel_loop3A_264 = tpu.vector_load %arg7[%parallel_loop3A_262, %parallel_loop3A_263] {strides = array<i32>} : memref<2x2048xf32, #tpu.memory_space<vmem>>, vector<16xf32>,
        tpu.vector_store %arg7[%parallel_loop3A_262, %parallel_loop3A_263], %parallel_loop3A_260 {strides = array<i32>} : memref<2x2048xf32, #tpu.memory_space<vmem>>, vector<16xf32>,
      } {sc.loop_unroll_factor = 8 : i64, sc.parallel_access}
      %dma_start3A_126 = arith.constant 1 : i32
      %dma_start3A_127 = arith.constant 0 : i32
      %dma_start3A_128 = tpu.memref_slice %arg7[%dma_start3A_126, %dma_start3A_127] : memref<2x2048xf32, #tpu.memory_space<vmem>> -> memref<1x2048xf32, #tpu.memory_space<vmem>>
      %dma_start3A_129 = tpu.memref_squeeze %dma_start3A_128 : memref<1x2048xf32, #tpu.memory_space<vmem>> -> memref<2048xf32, #tpu.memory_space<vmem>>
      %dma_start3A_130 = arith.constant 6144 : i32
      %dma_start3A_131 = tpu.memref_slice %arg4[%add3A_36, %dma_start3A_130] : memref<832x16384xf32, #tpu.memory_space<hbm>> -> memref<1x2048xf32, #tpu.memory_space<hbm>>
      %dma_start3A_132 = tpu.memref_squeeze %dma_start3A_131 : memref<1x2048xf32, #tpu.memory_space<hbm>> -> memref<2048xf32, #tpu.memory_space<hbm>>
      %dma_start3A_133 = arith.constant 6144 : i32
      %dma_start3A_134 = tpu.memref_slice %arg4[%add3A_36, %dma_start3A_133] : memref<832x16384xf32, #tpu.memory_space<hbm>> -> memref<1x2048xf32, #tpu.memory_space<hbm>>
      %dma_start3A_135 = tpu.memref_squeeze %dma_start3A_134 : memref<1x2048xf32, #tpu.memory_space<hbm>> -> memref<2048xf32, #tpu.memory_space<hbm>>
      %dma_start3A_136 = arith.constant 0 : i32
      %dma_start3A_137 = tpu.memref_slice %arg7[%dma_start3A_126, %dma_start3A_136] : memref<2x2048xf32, #tpu.memory_space<vmem>> -> memref<1x2048xf32, #tpu.memory_space<vmem>>
      %dma_start3A_138 = tpu.memref_squeeze %dma_start3A_137 : memref<1x2048xf32, #tpu.memory_space<vmem>> -> memref<2048xf32, #tpu.memory_space<vmem>>
      tpu.enqueue_dma source(%dma_start3A_138 : memref<2048xf32, #tpu.memory_space<vmem>>) target(%dma_start3A_135 : memref<2048xf32, #tpu.memory_space<hbm>>) target_semaphore(%arg9 : memref<!tpu.dma_semaphore, #tpu.memory_space<semaphore_mem>>)
      %dma_wait3A_139 = arith.constant 0 : i32
      %dma_wait3A_140 = arith.constant 0 : i32
      %dma_wait3A_141 = tpu.memref_slice %arg7[%dma_wait3A_139, %dma_wait3A_140] : memref<2x2048xf32, #tpu.memory_space<vmem>> -> memref<1x2048xf32, #tpu.memory_space<vmem>>
      %dma_wait3A_142 = tpu.memref_squeeze %dma_wait3A_141 : memref<1x2048xf32, #tpu.memory_space<vmem>> -> memref<2048xf32, #tpu.memory_space<vmem>>
      %dma_wait3A_143 = arith.constant 8192 : i32
      %dma_wait3A_144 = tpu.memref_slice %arg4[%add3A_36, %dma_wait3A_143] : memref<832x16384xf32, #tpu.memory_space<hbm>> -> memref<1x2048xf32, #tpu.memory_space<hbm>>
      %dma_wait3A_145 = tpu.memref_squeeze %dma_wait3A_144 : memref<1x2048xf32, #tpu.memory_space<hbm>> -> memref<2048xf32, #tpu.memory_space<hbm>>
      %dma_wait3A_146 = arith.constant 8192 : i32
      %dma_wait3A_147 = tpu.memref_slice %arg4[%add3A_36, %dma_wait3A_146] : memref<832x16384xf32, #tpu.memory_space<hbm>> -> memref<1x2048xf32, #tpu.memory_space<hbm>>
      %dma_wait3A_148 = tpu.memref_squeeze %dma_wait3A_147 : memref<1x2048xf32, #tpu.memory_space<hbm>> -> memref<2048xf32, #tpu.memory_space<hbm>>
      %dma_wait3A_149 = arith.constant 0 : i32
      %dma_wait3A_150 = tpu.memref_slice %arg7[%dma_wait3A_139, %dma_wait3A_149] : memref<2x2048xf32, #tpu.memory_space<vmem>> -> memref<1x2048xf32, #tpu.memory_space<vmem>>
      %dma_wait3A_151 = tpu.memref_squeeze %dma_wait3A_150 : memref<1x2048xf32, #tpu.memory_space<vmem>> -> memref<2048xf32, #tpu.memory_space<vmem>>
      tpu.wait_dma2 semaphore(%arg8 : memref<!tpu.dma_semaphore, #tpu.memory_space<semaphore_mem>>) src(%dma_wait3A_151 : memref<2048xf32, #tpu.memory_space<vmem>>) dst(%dma_wait3A_148 : memref<2048xf32, #tpu.memory_space<hbm>>)
      %parallel_loop3A_152 = arith.constant 0 : i32
      %parallel_loop3A_153 = arith.constant 2048 : i32
      %parallel_loop3A_154 = arith.constant 16 : i32
      scf.for %parallel_loop3A_255 = %parallel_loop3A_152 to %parallel_loop3A_153 step %parallel_loop3A_154  : i32 {
        %parallel_loop3A_256 = arith.constant 8192 : i32
        %parallel_loop3A_257 = arith.addi %parallel_loop3A_256, %parallel_loop3A_255 : i32
        %parallel_loop3A_258 = arith.index_cast %parallel_loop3A_257 : i32 to index
        %parallel_loop3A_259 = tpu.vector_load %arg6[%parallel_loop3A_258] {strides = array<i32>} : memref<16384xi32, #tpu.memory_space<vmem>>, vector<16xi32>,
        %parallel_loop3A_260 = tpu.vector_load_idx %arg5[%parallel_loop3A_259] : memref<100000xf32, #tpu.memory_space<vmem>>[vector<16xi32>], vector<16xf32>,
        %parallel_loop3A_261 = arith.constant 0 : i32
        %parallel_loop3A_262 = arith.index_cast %parallel_loop3A_261 : i32 to index
        %parallel_loop3A_263 = arith.index_cast %parallel_loop3A_255 : i32 to index
        %parallel_loop3A_264 = tpu.vector_load %arg7[%parallel_loop3A_262, %parallel_loop3A_263] {strides = array<i32>} : memref<2x2048xf32, #tpu.memory_space<vmem>>, vector<16xf32>,
        tpu.vector_store %arg7[%parallel_loop3A_262, %parallel_loop3A_263], %parallel_loop3A_260 {strides = array<i32>} : memref<2x2048xf32, #tpu.memory_space<vmem>>, vector<16xf32>,
      } {sc.loop_unroll_factor = 8 : i64, sc.parallel_access}
      %dma_start3A_155 = arith.constant 0 : i32
      %dma_start3A_156 = arith.constant 0 : i32
      %dma_start3A_157 = tpu.memref_slice %arg7[%dma_start3A_155, %dma_start3A_156] : memref<2x2048xf32, #tpu.memory_space<vmem>> -> memref<1x2048xf32, #tpu.memory_space<vmem>>
      %dma_start3A_158 = tpu.memref_squeeze %dma_start3A_157 : memref<1x2048xf32, #tpu.memory_space<vmem>> -> memref<2048xf32, #tpu.memory_space<vmem>>
      %dma_start3A_159 = arith.constant 8192 : i32
      %dma_start3A_160 = tpu.memref_slice %arg4[%add3A_36, %dma_start3A_159] : memref<832x16384xf32, #tpu.memory_space<hbm>> -> memref<1x2048xf32, #tpu.memory_space<hbm>>
      %dma_start3A_161 = tpu.memref_squeeze %dma_start3A_160 : memref<1x2048xf32, #tpu.memory_space<hbm>> -> memref<2048xf32, #tpu.memory_space<hbm>>
      %dma_start3A_162 = arith.constant 8192 : i32
      %dma_start3A_163 = tpu.memref_slice %arg4[%add3A_36, %dma_start3A_162] : memref<832x16384xf32, #tpu.memory_space<hbm>> -> memref<1x2048xf32, #tpu.memory_space<hbm>>
      %dma_start3A_164 = tpu.memref_squeeze %dma_start3A_163 : memref<1x2048xf32, #tpu.memory_space<hbm>> -> memref<2048xf32, #tpu.memory_space<hbm>>
      %dma_start3A_165 = arith.constant 0 : i32
      %dma_start3A_166 = tpu.memref_slice %arg7[%dma_start3A_155, %dma_start3A_165] : memref<2x2048xf32, #tpu.memory_space<vmem>> -> memref<1x2048xf32, #tpu.memory_space<vmem>>
      %dma_start3A_167 = tpu.memref_squeeze %dma_start3A_166 : memref<1x2048xf32, #tpu.memory_space<vmem>> -> memref<2048xf32, #tpu.memory_space<vmem>>
      tpu.enqueue_dma source(%dma_start3A_167 : memref<2048xf32, #tpu.memory_space<vmem>>) target(%dma_start3A_164 : memref<2048xf32, #tpu.memory_space<hbm>>) target_semaphore(%arg8 : memref<!tpu.dma_semaphore, #tpu.memory_space<semaphore_mem>>)
      %dma_wait3A_168 = arith.constant 1 : i32
      %dma_wait3A_169 = arith.constant 0 : i32
      %dma_wait3A_170 = tpu.memref_slice %arg7[%dma_wait3A_168, %dma_wait3A_169] : memref<2x2048xf32, #tpu.memory_space<vmem>> -> memref<1x2048xf32, #tpu.memory_space<vmem>>
      %dma_wait3A_171 = tpu.memref_squeeze %dma_wait3A_170 : memref<1x2048xf32, #tpu.memory_space<vmem>> -> memref<2048xf32, #tpu.memory_space<vmem>>
      %dma_wait3A_172 = arith.constant 10240 : i32
      %dma_wait3A_173 = tpu.memref_slice %arg4[%add3A_36, %dma_wait3A_172] : memref<832x16384xf32, #tpu.memory_space<hbm>> -> memref<1x2048xf32, #tpu.memory_space<hbm>>
      %dma_wait3A_174 = tpu.memref_squeeze %dma_wait3A_173 : memref<1x2048xf32, #tpu.memory_space<hbm>> -> memref<2048xf32, #tpu.memory_space<hbm>>
      %dma_wait3A_175 = arith.constant 10240 : i32
      %dma_wait3A_176 = tpu.memref_slice %arg4[%add3A_36, %dma_wait3A_175] : memref<832x16384xf32, #tpu.memory_space<hbm>> -> memref<1x2048xf32, #tpu.memory_space<hbm>>
      %dma_wait3A_177 = tpu.memref_squeeze %dma_wait3A_176 : memref<1x2048xf32, #tpu.memory_space<hbm>> -> memref<2048xf32, #tpu.memory_space<hbm>>
      %dma_wait3A_178 = arith.constant 0 : i32
      %dma_wait3A_179 = tpu.memref_slice %arg7[%dma_wait3A_168, %dma_wait3A_178] : memref<2x2048xf32, #tpu.memory_space<vmem>> -> memref<1x2048xf32, #tpu.memory_space<vmem>>
      %dma_wait3A_180 = tpu.memref_squeeze %dma_wait3A_179 : memref<1x2048xf32, #tpu.memory_space<vmem>> -> memref<2048xf32, #tpu.memory_space<vmem>>
      tpu.wait_dma2 semaphore(%arg9 : memref<!tpu.dma_semaphore, #tpu.memory_space<semaphore_mem>>) src(%dma_wait3A_180 : memref<2048xf32, #tpu.memory_space<vmem>>) dst(%dma_wait3A_177 : memref<2048xf32, #tpu.memory_space<hbm>>)
      %parallel_loop3A_181 = arith.constant 0 : i32
      %parallel_loop3A_182 = arith.constant 2048 : i32
      %parallel_loop3A_183 = arith.constant 16 : i32
      scf.for %parallel_loop3A_255 = %parallel_loop3A_181 to %parallel_loop3A_182 step %parallel_loop3A_183  : i32 {
        %parallel_loop3A_256 = arith.constant 10240 : i32
        %parallel_loop3A_257 = arith.addi %parallel_loop3A_256, %parallel_loop3A_255 : i32
        %parallel_loop3A_258 = arith.index_cast %parallel_loop3A_257 : i32 to index
        %parallel_loop3A_259 = tpu.vector_load %arg6[%parallel_loop3A_258] {strides = array<i32>} : memref<16384xi32, #tpu.memory_space<vmem>>, vector<16xi32>,
        %parallel_loop3A_260 = tpu.vector_load_idx %arg5[%parallel_loop3A_259] : memref<100000xf32, #tpu.memory_space<vmem>>[vector<16xi32>], vector<16xf32>,
        %parallel_loop3A_261 = arith.constant 1 : i32
        %parallel_loop3A_262 = arith.index_cast %parallel_loop3A_261 : i32 to index
        %parallel_loop3A_263 = arith.index_cast %parallel_loop3A_255 : i32 to index
        %parallel_loop3A_264 = tpu.vector_load %arg7[%parallel_loop3A_262, %parallel_loop3A_263] {strides = array<i32>} : memref<2x2048xf32, #tpu.memory_space<vmem>>, vector<16xf32>,
        tpu.vector_store %arg7[%parallel_loop3A_262, %parallel_loop3A_263], %parallel_loop3A_260 {strides = array<i32>} : memref<2x2048xf32, #tpu.memory_space<vmem>>, vector<16xf32>,
      } {sc.loop_unroll_factor = 8 : i64, sc.parallel_access}
      %dma_start3A_184 = arith.constant 1 : i32
      %dma_start3A_185 = arith.constant 0 : i32
      %dma_start3A_186 = tpu.memref_slice %arg7[%dma_start3A_184, %dma_start3A_185] : memref<2x2048xf32, #tpu.memory_space<vmem>> -> memref<1x2048xf32, #tpu.memory_space<vmem>>
      %dma_start3A_187 = tpu.memref_squeeze %dma_start3A_186 : memref<1x2048xf32, #tpu.memory_space<vmem>> -> memref<2048xf32, #tpu.memory_space<vmem>>
      %dma_start3A_188 = arith.constant 10240 : i32
      %dma_start3A_189 = tpu.memref_slice %arg4[%add3A_36, %dma_start3A_188] : memref<832x16384xf32, #tpu.memory_space<hbm>> -> memref<1x2048xf32, #tpu.memory_space<hbm>>
      %dma_start3A_190 = tpu.memref_squeeze %dma_start3A_189 : memref<1x2048xf32, #tpu.memory_space<hbm>> -> memref<2048xf32, #tpu.memory_space<hbm>>
      %dma_start3A_191 = arith.constant 10240 : i32
      %dma_start3A_192 = tpu.memref_slice %arg4[%add3A_36, %dma_start3A_191] : memref<832x16384xf32, #tpu.memory_space<hbm>> -> memref<1x2048xf32, #tpu.memory_space<hbm>>
      %dma_start3A_193 = tpu.memref_squeeze %dma_start3A_192 : memref<1x2048xf32, #tpu.memory_space<hbm>> -> memref<2048xf32, #tpu.memory_space<hbm>>
      %dma_start3A_194 = arith.constant 0 : i32
      %dma_start3A_195 = tpu.memref_slice %arg7[%dma_start3A_184, %dma_start3A_194] : memref<2x2048xf32, #tpu.memory_space<vmem>> -> memref<1x2048xf32, #tpu.memory_space<vmem>>
      %dma_start3A_196 = tpu.memref_squeeze %dma_start3A_195 : memref<1x2048xf32, #tpu.memory_space<vmem>> -> memref<2048xf32, #tpu.memory_space<vmem>>
      tpu.enqueue_dma source(%dma_start3A_196 : memref<2048xf32, #tpu.memory_space<vmem>>) target(%dma_start3A_193 : memref<2048xf32, #tpu.memory_space<hbm>>) target_semaphore(%arg9 : memref<!tpu.dma_semaphore, #tpu.memory_space<semaphore_mem>>)
      %dma_wait3A_197 = arith.constant 0 : i32
      %dma_wait3A_198 = arith.constant 0 : i32
      %dma_wait3A_199 = tpu.memref_slice %arg7[%dma_wait3A_197, %dma_wait3A_198] : memref<2x2048xf32, #tpu.memory_space<vmem>> -> memref<1x2048xf32, #tpu.memory_space<vmem>>
      %dma_wait3A_200 = tpu.memref_squeeze %dma_wait3A_199 : memref<1x2048xf32, #tpu.memory_space<vmem>> -> memref<2048xf32, #tpu.memory_space<vmem>>
      %dma_wait3A_201 = arith.constant 12288 : i32
      %dma_wait3A_202 = tpu.memref_slice %arg4[%add3A_36, %dma_wait3A_201] : memref<832x16384xf32, #tpu.memory_space<hbm>> -> memref<1x2048xf32, #tpu.memory_space<hbm>>
      %dma_wait3A_203 = tpu.memref_squeeze %dma_wait3A_202 : memref<1x2048xf32, #tpu.memory_space<hbm>> -> memref<2048xf32, #tpu.memory_space<hbm>>
      %dma_wait3A_204 = arith.constant 12288 : i32
      %dma_wait3A_205 = tpu.memref_slice %arg4[%add3A_36, %dma_wait3A_204] : memref<832x16384xf32, #tpu.memory_space<hbm>> -> memref<1x2048xf32, #tpu.memory_space<hbm>>
      %dma_wait3A_206 = tpu.memref_squeeze %dma_wait3A_205 : memref<1x2048xf32, #tpu.memory_space<hbm>> -> memref<2048xf32, #tpu.memory_space<hbm>>
      %dma_wait3A_207 = arith.constant 0 : i32
      %dma_wait3A_208 = tpu.memref_slice %arg7[%dma_wait3A_197, %dma_wait3A_207] : memref<2x2048xf32, #tpu.memory_space<vmem>> -> memref<1x2048xf32, #tpu.memory_space<vmem>>
      %dma_wait3A_209 = tpu.memref_squeeze %dma_wait3A_208 : memref<1x2048xf32, #tpu.memory_space<vmem>> -> memref<2048xf32, #tpu.memory_space<vmem>>
      tpu.wait_dma2 semaphore(%arg8 : memref<!tpu.dma_semaphore, #tpu.memory_space<semaphore_mem>>) src(%dma_wait3A_209 : memref<2048xf32, #tpu.memory_space<vmem>>) dst(%dma_wait3A_206 : memref<2048xf32, #tpu.memory_space<hbm>>)
      %parallel_loop3A_210 = arith.constant 0 : i32
      %parallel_loop3A_211 = arith.constant 2048 : i32
      %parallel_loop3A_212 = arith.constant 16 : i32
      scf.for %parallel_loop3A_255 = %parallel_loop3A_210 to %parallel_loop3A_211 step %parallel_loop3A_212  : i32 {
        %parallel_loop3A_256 = arith.constant 12288 : i32
        %parallel_loop3A_257 = arith.addi %parallel_loop3A_256, %parallel_loop3A_255 : i32
        %parallel_loop3A_258 = arith.index_cast %parallel_loop3A_257 : i32 to index
        %parallel_loop3A_259 = tpu.vector_load %arg6[%parallel_loop3A_258] {strides = array<i32>} : memref<16384xi32, #tpu.memory_space<vmem>>, vector<16xi32>,
        %parallel_loop3A_260 = tpu.vector_load_idx %arg5[%parallel_loop3A_259] : memref<100000xf32, #tpu.memory_space<vmem>>[vector<16xi32>], vector<16xf32>,
        %parallel_loop3A_261 = arith.constant 0 : i32
        %parallel_loop3A_262 = arith.index_cast %parallel_loop3A_261 : i32 to index
        %parallel_loop3A_263 = arith.index_cast %parallel_loop3A_255 : i32 to index
        %parallel_loop3A_264 = tpu.vector_load %arg7[%parallel_loop3A_262, %parallel_loop3A_263] {strides = array<i32>} : memref<2x2048xf32, #tpu.memory_space<vmem>>, vector<16xf32>,
        tpu.vector_store %arg7[%parallel_loop3A_262, %parallel_loop3A_263], %parallel_loop3A_260 {strides = array<i32>} : memref<2x2048xf32, #tpu.memory_space<vmem>>, vector<16xf32>,
      } {sc.loop_unroll_factor = 8 : i64, sc.parallel_access}
      %dma_start3A_213 = arith.constant 0 : i32
      %dma_start3A_214 = arith.constant 0 : i32
      %dma_start3A_215 = tpu.memref_slice %arg7[%dma_start3A_213, %dma_start3A_214] : memref<2x2048xf32, #tpu.memory_space<vmem>> -> memref<1x2048xf32, #tpu.memory_space<vmem>>
      %dma_start3A_216 = tpu.memref_squeeze %dma_start3A_215 : memref<1x2048xf32, #tpu.memory_space<vmem>> -> memref<2048xf32, #tpu.memory_space<vmem>>
      %dma_start3A_217 = arith.constant 12288 : i32
      %dma_start3A_218 = tpu.memref_slice %arg4[%add3A_36, %dma_start3A_217] : memref<832x16384xf32, #tpu.memory_space<hbm>> -> memref<1x2048xf32, #tpu.memory_space<hbm>>
      %dma_start3A_219 = tpu.memref_squeeze %dma_start3A_218 : memref<1x2048xf32, #tpu.memory_space<hbm>> -> memref<2048xf32, #tpu.memory_space<hbm>>
      %dma_start3A_220 = arith.constant 12288 : i32
      %dma_start3A_221 = tpu.memref_slice %arg4[%add3A_36, %dma_start3A_220] : memref<832x16384xf32, #tpu.memory_space<hbm>> -> memref<1x2048xf32, #tpu.memory_space<hbm>>
      %dma_start3A_222 = tpu.memref_squeeze %dma_start3A_221 : memref<1x2048xf32, #tpu.memory_space<hbm>> -> memref<2048xf32, #tpu.memory_space<hbm>>
      %dma_start3A_223 = arith.constant 0 : i32
      %dma_start3A_224 = tpu.memref_slice %arg7[%dma_start3A_213, %dma_start3A_223] : memref<2x2048xf32, #tpu.memory_space<vmem>> -> memref<1x2048xf32, #tpu.memory_space<vmem>>
      %dma_start3A_225 = tpu.memref_squeeze %dma_start3A_224 : memref<1x2048xf32, #tpu.memory_space<vmem>> -> memref<2048xf32, #tpu.memory_space<vmem>>
      tpu.enqueue_dma source(%dma_start3A_225 : memref<2048xf32, #tpu.memory_space<vmem>>) target(%dma_start3A_222 : memref<2048xf32, #tpu.memory_space<hbm>>) target_semaphore(%arg8 : memref<!tpu.dma_semaphore, #tpu.memory_space<semaphore_mem>>)
      %dma_wait3A_226 = arith.constant 1 : i32
      %dma_wait3A_227 = arith.constant 0 : i32
      %dma_wait3A_228 = tpu.memref_slice %arg7[%dma_wait3A_226, %dma_wait3A_227] : memref<2x2048xf32, #tpu.memory_space<vmem>> -> memref<1x2048xf32, #tpu.memory_space<vmem>>
      %dma_wait3A_229 = tpu.memref_squeeze %dma_wait3A_228 : memref<1x2048xf32, #tpu.memory_space<vmem>> -> memref<2048xf32, #tpu.memory_space<vmem>>
      %dma_wait3A_230 = arith.constant 14336 : i32
      %dma_wait3A_231 = tpu.memref_slice %arg4[%add3A_36, %dma_wait3A_230] : memref<832x16384xf32, #tpu.memory_space<hbm>> -> memref<1x2048xf32, #tpu.memory_space<hbm>>
      %dma_wait3A_232 = tpu.memref_squeeze %dma_wait3A_231 : memref<1x2048xf32, #tpu.memory_space<hbm>> -> memref<2048xf32, #tpu.memory_space<hbm>>
      %dma_wait3A_233 = arith.constant 14336 : i32
      %dma_wait3A_234 = tpu.memref_slice %arg4[%add3A_36, %dma_wait3A_233] : memref<832x16384xf32, #tpu.memory_space<hbm>> -> memref<1x2048xf32, #tpu.memory_space<hbm>>
      %dma_wait3A_235 = tpu.memref_squeeze %dma_wait3A_234 : memref<1x2048xf32, #tpu.memory_space<hbm>> -> memref<2048xf32, #tpu.memory_space<hbm>>
      %dma_wait3A_236 = arith.constant 0 : i32
      %dma_wait3A_237 = tpu.memref_slice %arg7[%dma_wait3A_226, %dma_wait3A_236] : memref<2x2048xf32, #tpu.memory_space<vmem>> -> memref<1x2048xf32, #tpu.memory_space<vmem>>
      %dma_wait3A_238 = tpu.memref_squeeze %dma_wait3A_237 : memref<1x2048xf32, #tpu.memory_space<vmem>> -> memref<2048xf32, #tpu.memory_space<vmem>>
      tpu.wait_dma2 semaphore(%arg9 : memref<!tpu.dma_semaphore, #tpu.memory_space<semaphore_mem>>) src(%dma_wait3A_238 : memref<2048xf32, #tpu.memory_space<vmem>>) dst(%dma_wait3A_235 : memref<2048xf32, #tpu.memory_space<hbm>>)
      %parallel_loop3A_239 = arith.constant 0 : i32
      %parallel_loop3A_240 = arith.constant 2048 : i32
      %parallel_loop3A_241 = arith.constant 16 : i32
      scf.for %parallel_loop3A_255 = %parallel_loop3A_239 to %parallel_loop3A_240 step %parallel_loop3A_241  : i32 {
        %parallel_loop3A_256 = arith.constant 14336 : i32
        %parallel_loop3A_257 = arith.addi %parallel_loop3A_256, %parallel_loop3A_255 : i32
        %parallel_loop3A_258 = arith.index_cast %parallel_loop3A_257 : i32 to index
        %parallel_loop3A_259 = tpu.vector_load %arg6[%parallel_loop3A_258] {strides = array<i32>} : memref<16384xi32, #tpu.memory_space<vmem>>, vector<16xi32>,
        %parallel_loop3A_260 = tpu.vector_load_idx %arg5[%parallel_loop3A_259] : memref<100000xf32, #tpu.memory_space<vmem>>[vector<16xi32>], vector<16xf32>,
        %parallel_loop3A_261 = arith.constant 1 : i32
        %parallel_loop3A_262 = arith.index_cast %parallel_loop3A_261 : i32 to index
        %parallel_loop3A_263 = arith.index_cast %parallel_loop3A_255 : i32 to index
        %parallel_loop3A_264 = tpu.vector_load %arg7[%parallel_loop3A_262, %parallel_loop3A_263] {strides = array<i32>} : memref<2x2048xf32, #tpu.memory_space<vmem>>, vector<16xf32>,
        tpu.vector_store %arg7[%parallel_loop3A_262, %parallel_loop3A_263], %parallel_loop3A_260 {strides = array<i32>} : memref<2x2048xf32, #tpu.memory_space<vmem>>, vector<16xf32>,
      } {sc.loop_unroll_factor = 8 : i64, sc.parallel_access}
      %dma_start3A_242 = arith.constant 1 : i32
      %dma_start3A_243 = arith.constant 0 : i32
      %dma_start3A_244 = tpu.memref_slice %arg7[%dma_start3A_242, %dma_start3A_243] : memref<2x2048xf32, #tpu.memory_space<vmem>> -> memref<1x2048xf32, #tpu.memory_space<vmem>>
      %dma_start3A_245 = tpu.memref_squeeze %dma_start3A_244 : memref<1x2048xf32, #tpu.memory_space<vmem>> -> memref<2048xf32, #tpu.memory_space<vmem>>
      %dma_start3A_246 = arith.constant 14336 : i32
      %dma_start3A_247 = tpu.memref_slice %arg4[%add3A_36, %dma_start3A_246] : memref<832x16384xf32, #tpu.memory_space<hbm>> -> memref<1x2048xf32, #tpu.memory_space<hbm>>
      %dma_start3A_248 = tpu.memref_squeeze %dma_start3A_247 : memref<1x2048xf32, #tpu.memory_space<hbm>> -> memref<2048xf32, #tpu.memory_space<hbm>>
      %dma_start3A_249 = arith.constant 14336 : i32
      %dma_start3A_250 = tpu.memref_slice %arg4[%add3A_36, %dma_start3A_249] : memref<832x16384xf32, #tpu.memory_space<hbm>> -> memref<1x2048xf32, #tpu.memory_space<hbm>>
      %dma_start3A_251 = tpu.memref_squeeze %dma_start3A_250 : memref<1x2048xf32, #tpu.memory_space<hbm>> -> memref<2048xf32, #tpu.memory_space<hbm>>
      %dma_start3A_252 = arith.constant 0 : i32
      %dma_start3A_253 = tpu.memref_slice %arg7[%dma_start3A_242, %dma_start3A_252] : memref<2x2048xf32, #tpu.memory_space<vmem>> -> memref<1x2048xf32, #tpu.memory_space<vmem>>
      %dma_start3A_254 = tpu.memref_squeeze %dma_start3A_253 : memref<1x2048xf32, #tpu.memory_space<vmem>> -> memref<2048xf32, #tpu.memory_space<vmem>>
      tpu.enqueue_dma source(%dma_start3A_254 : memref<2048xf32, #tpu.memory_space<vmem>>) target(%dma_start3A_251 : memref<2048xf32, #tpu.memory_space<hbm>>) target_semaphore(%arg9 : memref<!tpu.dma_semaphore, #tpu.memory_space<semaphore_mem>>)
      scf.yield %shift_right_logical3A_37 : i32
    }
    %scan3A_8 = arith.constant 26 : i32
    %dma_wait3A = arith.constant 0 : i32
    %dma_wait3A_9 = arith.constant 0 : i32
    %dma_wait3A_10 = tpu.memref_slice %arg7[%dma_wait3A, %dma_wait3A_9] : memref<2x2048xf32, #tpu.memory_space<vmem>> -> memref<1x2048xf32, #tpu.memory_space<vmem>>
    %dma_wait3A_11 = tpu.memref_squeeze %dma_wait3A_10 : memref<1x2048xf32, #tpu.memory_space<vmem>> -> memref<2048xf32, #tpu.memory_space<vmem>>
    %dma_wait3A_12 = arith.constant 0 : i32
    %dma_wait3A_13 = tpu.memref_slice %arg4[%mul3A_2, %dma_wait3A_12] : memref<832x16384xf32, #tpu.memory_space<hbm>> -> memref<1x2048xf32, #tpu.memory_space<hbm>>
    %dma_wait3A_14 = tpu.memref_squeeze %dma_wait3A_13 : memref<1x2048xf32, #tpu.memory_space<hbm>> -> memref<2048xf32, #tpu.memory_space<hbm>>
    %dma_wait3A_15 = arith.constant 0 : i32
    %dma_wait3A_16 = tpu.memref_slice %arg4[%mul3A_2, %dma_wait3A_15] : memref<832x16384xf32, #tpu.memory_space<hbm>> -> memref<1x2048xf32, #tpu.memory_space<hbm>>
    %dma_wait3A_17 = tpu.memref_squeeze %dma_wait3A_16 : memref<1x2048xf32, #tpu.memory_space<hbm>> -> memref<2048xf32, #tpu.memory_space<hbm>>
    %dma_wait3A_18 = arith.constant 0 : i32
    %dma_wait3A_19 = tpu.memref_slice %arg7[%dma_wait3A, %dma_wait3A_18] : memref<2x2048xf32, #tpu.memory_space<vmem>> -> memref<1x2048xf32, #tpu.memory_space<vmem>>
    %dma_wait3A_20 = tpu.memref_squeeze %dma_wait3A_19 : memref<1x2048xf32, #tpu.memory_space<vmem>> -> memref<2048xf32, #tpu.memory_space<vmem>>
    tpu.wait_dma2 semaphore(%arg8 : memref<!tpu.dma_semaphore, #tpu.memory_space<semaphore_mem>>) src(%dma_wait3A_20 : memref<2048xf32, #tpu.memory_space<vmem>>) dst(%dma_wait3A_17 : memref<2048xf32, #tpu.memory_space<hbm>>)
    %dma_wait3A_21 = arith.constant 1 : i32
    %dma_wait3A_22 = arith.constant 0 : i32
    %dma_wait3A_23 = tpu.memref_slice %arg7[%dma_wait3A_21, %dma_wait3A_22] : memref<2x2048xf32, #tpu.memory_space<vmem>> -> memref<1x2048xf32, #tpu.memory_space<vmem>>
    %dma_wait3A_24 = tpu.memref_squeeze %dma_wait3A_23 : memref<1x2048xf32, #tpu.memory_space<vmem>> -> memref<2048xf32, #tpu.memory_space<vmem>>
    %dma_wait3A_25 = arith.constant 0 : i32
    %dma_wait3A_26 = tpu.memref_slice %arg4[%mul3A_2, %dma_wait3A_25] : memref<832x16384xf32, #tpu.memory_space<hbm>> -> memref<1x2048xf32, #tpu.memory_space<hbm>>
    %dma_wait3A_27 = tpu.memref_squeeze %dma_wait3A_26 : memref<1x2048xf32, #tpu.memory_space<hbm>> -> memref<2048xf32, #tpu.memory_space<hbm>>
    %dma_wait3A_28 = arith.constant 0 : i32
    %dma_wait3A_29 = tpu.memref_slice %arg4[%mul3A_2, %dma_wait3A_28] : memref<832x16384xf32, #tpu.memory_space<hbm>> -> memref<1x2048xf32, #tpu.memory_space<hbm>>
    %dma_wait3A_30 = tpu.memref_squeeze %dma_wait3A_29 : memref<1x2048xf32, #tpu.memory_space<hbm>> -> memref<2048xf32, #tpu.memory_space<hbm>>
    %dma_wait3A_31 = arith.constant 0 : i32
    %dma_wait3A_32 = tpu.memref_slice %arg7[%dma_wait3A_21, %dma_wait3A_31] : memref<2x2048xf32, #tpu.memory_space<vmem>> -> memref<1x2048xf32, #tpu.memory_space<vmem>>
    %dma_wait3A_33 = tpu.memref_squeeze %dma_wait3A_32 : memref<1x2048xf32, #tpu.memory_space<vmem>> -> memref<2048xf32, #tpu.memory_space<vmem>>
    tpu.wait_dma2 semaphore(%arg9 : memref<!tpu.dma_semaphore, #tpu.memory_space<semaphore_mem>>) src(%dma_wait3A_33 : memref<2048xf32, #tpu.memory_space<vmem>>) dst(%dma_wait3A_30 : memref<2048xf32, #tpu.memory_space<hbm>>)
    return
  }
}

</mosaic_0001>

<sc_bundles>
// kernel: kernel.3.cloned.1.call-start
scs
__scs_entry_jumppad:
0x0: {  	(pc) =	sbr.rel $0x88, $3  }
0x1: {  	(tag) =	ssettag $0x0;
	lr =	simm.s32 $0x1  }
0x2: {  	[smem:$0x3F9F] =	sst lr;
	_ =	strace $0xD0000000  }
0x3: {  	_ = 	snop  }
0x4: {  	_ = 	snop  }
0x5: {  	_ = 	snop  }
0x6: {  	_ = 	snop  }
0x7: {  	_ = 	snop  }
__scs_overlays_trampoline_lowered:
0x8: {  	[smem:$0x3FAE] =	sst s0  }
0x9: {  	[smem:$0x3FAF] =	sst s1  }
0xa: {  	[smem:$0x3FB0] =	sst s2  }
0xb: {  	[smem:$0x3FB1] =	sst s3  }
0xc: {  	[smem:$0x3FB2] =	sst s4  }
0xd: {  	[smem:$0x3FB3] =	sst s5  }
0xe: {  	[smem:$0x3FB4] =	sst s6  }
0xf: {  	[smem:$0x3FB5] =	sst s7  }
0x10: {  	[smem:$0x3FB6] =	sst s8  }
0x11: {  	[smem:$0x3FB7] =	sst s9;
	s0 =	simm.s32 @!p0 $0x0  }
0x12: {  	s1 =	sld [smem:$0x3F9D];
	s0 =	simm.s32 @p0 $0x1  }
0x13: {  	[smem:$0x3FB8] =	sst s0;
	s0 =	simm.s32 @!p1 $0x0  }
0x14: {  	s2 =	sld [smem:$0x3F9C];
	s0 =	simm.s32 @p1 $0x1  }
0x15: {  	[smem:$0x3FB9] =	sst s0;
	s0 =	simm.s32 @!p2 $0x0  }
0x16: {  	s3 =	sld [smem:$0x3FDB];
	s0 =	simm.s32 @p2 $0x1  }
0x17: {  	s4 =	simm.s32 $0x1BF5;
	[smem:$0x3FBB] =	sst s0  }
0x18: {  	s0 =	sld [smem:$0x3F9E];
	_ =	swait.ge [sflag:s4], $0x0  }
0x19: {  	s7 =	sld [smem:$0x3F9F]  }
0x1a: {  	s8 =	sadd.s32 $0xFFFFE003, lr  }
0x1b: {  	s9 =	sadd.s32 $0xFFFFFEF7, lr;
	s5 =	simm.s32 $0xFFFFFFFF;
	p2 =	slt.u32 s8, $0xFFFFF086  }
0x1c: {  	p1 =	slt.u32 s9, $0xF7A;
	s5 =	simm.s32 @!p2 $0x0  }
0x1d: {  	s5 =	simm.s32 @p1 $0x1;
	p0 =	seq.s32 s7, s2  }
0x1e: {  	s7 =	smul.u32 @!p0 $0xF7A, s2;
	p2 =	seq.s32 @!p0 s5, $0x0  }
0x1f: {  	s9 =	smul.u32 $0xF7A, s1;
	s8 =	simm.s32 @!p0 $0x1BF5;
	p2 =	por !p2, p0  }
0x20: {  	[sflag:s8] =	ssyncset.s32 @!p0 $0xFFFFF086;
	s6 =	sadd.s32 @!p0 s3, s7;
	s7 =	simm.s32 @!p0 $0x108  }
0x21: {  	s3 =	sadd.s32 s3, s9;
	s6 =	sadd.s32 @!p0 $0x88, s6;
	s7 =	simm.s32 @p2 $0x1082  }
0x22: {  	[simem:s7], [sflag:s8] =	dma.local @!p0 [hbm:s6], $0xF7A  }
0x23: {  	s9 =	sor.u32 $0xD0000000, s2;
	s6 =	simm.s32 $0x108;
	_ =	swait.ge @!p0 [sflag:s8], $0x0  }
0x24: {  	s3 =	sadd.s32 $0x88, s3;
	s6 =	simm.s32 @!p1 $0x1082;
	[sflag:s4] =	ssyncset.s32 $0xFFFFF086  }
0x25: {  	[simem:s6], [sflag:s4] =	dma.local [hbm:s3], $0xF7A  }
0x26: {  	[smem:$0x3F9F] =	sst s1;
	(tag) =	ssettag s2;
	_ =	strace s9  }
0x27: {  	s1 =	sld [smem:$0x3FAF]  }
0x28: {  	s2 =	sld [smem:$0x3FB0]  }
0x29: {  	s4 =	sld [smem:$0x3FB2]  }
0x2a: {  	p0 =	seq.s32 s5, $0x0;
	s5 =	sld [smem:$0x3FB3]  }
0x2b: {  	s6 =	sld [smem:$0x3FB4]  }
0x2c: {  	s7 =	sld [smem:$0x3FB5]  }
0x2d: {  	s3 =	simm.s32 $0x108;
	s8 =	sld [smem:$0x3FB6]  }
0x2e: {  	s3 =	simm.s32 @!p0 $0x1082;
	s9 =	sld [smem:$0x3FB7]  }
0x2f: {  	lr =	sadd.s32 s0, s3;
	s0 =	sld [smem:$0x3FAE]  }
0x30: {  	s3 =	sld [smem:$0x3FB1]  }
0x31: {  	[smem:$0x3FBA] =	sst s10  }
0x32: {  	s10 =	sld [smem:$0x3FB8];
	_ =	sdelay $0x3  }
0x33: {  	p0 =	seq.s32 s10, $0x1;
	s10 =	sld [smem:$0x3FBA];
	_ =	sdelay $0x3  }
0x34: {  	[smem:$0x3FBA] =	sst s10  }
0x35: {  	s10 =	sld [smem:$0x3FB9];
	_ =	sdelay $0x3  }
0x36: {  	p1 =	seq.s32 s10, $0x1;
	s10 =	sld [smem:$0x3FBA];
	_ =	sdelay $0x3  }
0x37: {  	[smem:$0x3FBA] =	sst s10  }
0x38: {  	s10 =	sld [smem:$0x3FBB]  }
0x39: {  	_ = 	snop;
	(pc) =	sbr.ind lr, $3  }
0x3a: {  	_ = 	snop  }
0x3b: {  	_ = 	snop  }
0x3c: {  	p2 =	seq.s32 s10, $0x1;
	s10 =	sld [smem:$0x3FBA]  }
0x3d: {  	_ =	shalt  }
0x3e: {  	_ =	shalt  }
0x3f: {  	_ =	shalt  }
0x40: {  	_ =	shalt  }
0x41: {  	_ =	shalt  }
0x42: {  	_ =	shalt  }
0x43: {  	_ =	shalt  }
0x44: {  	_ =	shalt  }
0x45: {  	_ =	shalt  }
0x46: {  	_ =	shalt  }
0x47: {  	_ =	shalt  }
0x48: {  	_ =	shalt  }
0x49: {  	_ =	shalt  }
0x4a: {  	_ =	shalt  }
0x4b: {  	_ =	shalt  }
0x4c: {  	_ =	shalt  }
0x4d: {  	_ =	shalt  }
0x4e: {  	_ =	shalt  }
0x4f: {  	_ =	shalt  }
0x50: {  	_ =	shalt  }
0x51: {  	_ =	shalt  }
0x52: {  	_ =	shalt  }
0x53: {  	_ =	shalt  }
0x54: {  	_ =	shalt  }
0x55: {  	_ =	shalt  }
0x56: {  	_ =	shalt  }
0x57: {  	_ =	shalt  }
0x58: {  	_ =	shalt  }
0x59: {  	_ =	shalt  }
0x5a: {  	_ =	shalt  }
0x5b: {  	_ =	shalt  }
0x5c: {  	_ =	shalt  }
0x5d: {  	_ =	shalt  }
0x5e: {  	_ =	shalt  }
0x5f: {  	_ =	shalt  }
0x60: {  	_ =	shalt  }
0x61: {  	_ =	shalt  }
0x62: {  	_ =	shalt  }
0x63: {  	_ =	shalt  }
0x64: {  	_ =	shalt  }
0x65: {  	_ =	shalt  }
0x66: {  	_ =	shalt  }
0x67: {  	_ =	shalt  }
0x68: {  	_ =	shalt  }
0x69: {  	_ =	shalt  }
0x6a: {  	_ =	shalt  }
0x6b: {  	_ =	shalt  }
0x6c: {  	_ =	shalt  }
0x6d: {  	_ =	shalt  }
0x6e: {  	_ =	shalt  }
0x6f: {  	_ =	shalt  }
0x70: {  	_ =	shalt  }
0x71: {  	_ =	shalt  }
0x72: {  	_ =	shalt  }
0x73: {  	_ =	shalt  }
0x74: {  	_ =	shalt  }
0x75: {  	_ =	shalt  }
0x76: {  	_ =	shalt  }
0x77: {  	_ =	shalt  }
0x78: {  	_ =	shalt  }
0x79: {  	_ =	shalt  }
0x7a: {  	_ =	shalt  }
0x7b: {  	_ =	shalt  }
0x7c: {  	_ =	shalt  }
0x7d: {  	_ =	shalt  }
0x7e: {  	_ =	shalt  }
0x7f: {  	_ =	shalt  }
0x80: {  	_ =	shalt  }
0x81: {  	_ =	shalt  }
0x82: {  	_ =	shalt  }
0x83: {  	_ =	shalt  }
0x84: {  	_ =	shalt  }
0x85: {  	_ =	shalt  }
0x86: {  	_ =	shalt  }
0x87: {  	_ =	shalt  }
.Lfunc_end0:
.L_simem_size_0:
called_computation_lowered:
.L_overlay_start_0:
0x88: {  	s2 =	sld [smem:$0x3FD9]  }
0x89: {  	s3 =	sld [smem:$0x3FFE];
	_ =	sdelay $0x1  }
0x8a: {  	s1 =	srdreg.scid  }
0x8b: {  	s0 =	sand.u32 $0x1, s1  }
0x8c: {  	s18 =	sshll.u32 s0, $0xA;
	s2 =	sadd.s32 s3, s2  }
0x8d: {  	s2 =	sadd.s32 s2, s18  }
0x8e: {  	[smem:$0x3FC6] =	sst s2  }
0x8f: {  	_ = 	snop  }
0x90: {  	s2 =	sld [smem:$0x3FC9]  }
0x91: {  	s19 =	sld [smem:$0x3FC8]  }
0x92: {  	s4 =	sld [smem:$0x3FD0];
	(tm) =	ssettm $0x1  }
0x93: {  	s5 =	sld [smem:$0x3FFB];
	_ =	sdelay $0x3  }
0x94: {  	_ =	strace s5  }
0x95: {  	s5 =	sld [smem:$0x3FFC];
	_ =	sdelay $0x3  }
0x96: {  	_ =	strace s5  }
0x97: {  	s5 =	sld [smem:$0x3FFD];
	_ =	sdelay $0x3  }
0x98: {  	_ =	strace s5  }
0x99: {  	_ =	strace $0x8FFFFFFF  }
0x9a: {  	s20 =	sld [smem:$0x3FDB];
	_ =	sdelay $0x1  }
0x9b: {  	s6 =	simm.s32 $_scs_section_size  }
0x9c: {  	s7 =	simm.s32 $_size__tile_overlayer_lowered;
	s8 =	simm.s32 $_tile_overlayer_lowered  }
0x9d: {  	s23 =	simm.s32 $0x1BFF;
	s22 =	sshll.u32 s8, $0x1;
	s5 =	sadd.s32 s6, s20  }
0x9e: {  	s9 =	simm.s32 $0x0;
	s21 =	sshll.u32 s7, $0x1;
	s7 =	sadd.s32 s22, s5  }
0x9f: {  	[timem:s9], [sflag:s23] =	dma.local [hbm:s7], s21  }
0xa0: {  	_ =	swait.ge [sflag:s23], s21  }
0xa1: {  	s6 =	ssub.s32 $0x0, s21;
	[sflag:s23] =	ssyncset.done $0x0  }
0xa2: {  	[sflag:s23] =	ssyncadd.s32 s6;
	_ =	sdelay $0x1  }
0xa3: {  	s24 =	simm.s32 $0x1B8B  }
0xa4: {  	_ =	swait.ge [sflag:s24], $0x1  }
0xa5: {  	[sflag:s24] =	ssyncset.done $0x0  }
0xa6: {  	s25 =	simm.s32 $0x1B8E;
	[sflag:s24] =	ssyncadd.s32 $0xFFFFFFFF  }
0xa7: {  	s26 =	simm.s32 $execute0_lowered;
	[smem:$0x3FD2] =	sst s25  }
0xa8: {  	s6 =	sshll.u32 s26, $0x1;
	_ =	strace $0x80000046;
	[dreg:$0x1] =	wrdreg $0xFFFFFFFF  }
0xa9: {  	s28 =	simm.s32 $_size_execute0_lowered;
	s5 =	sadd.s32 s5, s6;
	[dreg:$0x0] =	wrdreg $0x0  }
0xaa: {  	s6 =	sshll.u32 s28, $0x1;
	[dreg:$0x2] =	wrdreg s5  }
0xab: {  	[dreg:$0x3] =	wrdreg s6  }
0xac: {  	[dreg:$0x4] =	wrdreg $0xC0  }
0xad: {  	_ =	task [dreg:s9], $0x5FFFF  }
0xae: {  	[dreg:$0x1] =	wrdreg $0xFFFFFFFF  }
0xaf: {  	[dreg:$0x0] =	wrdreg $0x60  }
0xb0: {  	[dreg:$0x2] =	wrdreg s19  }
0xb1: {  	[dreg:$0x3] =	wrdreg s2  }
0xb2: {  	[dreg:$0x4] =	wrdreg s4  }
0xb3: {  	[dreg:$0x5] =	wrdreg $0x9  }
0xb4: {  	_ =	task.clear_ibuf [dreg:s9], $0x6FFFF;
	_ =	strace $0x90000046  }
0xb5: {  	s29 =	simm.s32 $0x9;
	_ =	strace $0x80000048  }
0xb6: {  	_ =	swait.ge [sflag:s29], $0x1  }
0xb7: {  	[sflag:s29] =	ssyncadd.s32 $0xFFFFFFFF  }
0xb8: {  	_ =	strace $0x90000048  }
0xb9: {  	_ =	sfence  }
0xba: {  	s30 =	sld [smem:$0x0];
	_ =	sdelay $0x2  }
0xbb: {  	s31 =	sshll.u32 s1, $0xD;
	s1 =	sshrl.u32 s1, $0x2  }
0xbc: {  	s3 =	sand.u32 $0x4000, s31;
	s1 =	sadd.s32 s1, s30  }
0xbd: {  	s0 =	sor.u32 s3, s0;
	s1 =	sshll.u32 s1, $0x11  }
0xbe: {  	s0 =	sor.u32 s1, s0  }
0xbf: {  	s0 =	sadd.s32 $0x8F2B, s0  }
0xc0: {  	[sflag:s0] =	ssyncadd.remote.s32 $0x1  }
0xc1: {  	_ =	sfence.sel $0xFFFF  }
0xc2: {  	[dreg:$0x0] =	wrdreg $0xFFFFFFFF;
	(pc) =	sbr.abs _section_cstart, $3  }
0xc3: {  	[dreg:$0x1] =	wrdreg $0xFFFFFFFF  }
0xc4: {  	_ =	task.clear_ibuf [dreg:s9], $0x2FFFF;
	_ =	strace $0x9FFFFFFF  }
0xc5: {  	(tm) =	ssettm $0x7FFFFFFF  }
tec
execute0_lowered:
.L_overlay_start_1:
0x0: {  	(tag) =	ssettag $0x1  }
0x1: {  	s4 =	rddreg [dreg:$0x2];
	s0 =	srdreg.scid;
	s5 =	simm.s32 $0x0  }
0x2: {  	s3 =	stileid.u32;
	s31 =	simm.s32 $0x1D200;
	s14 =	simm.s32 $0x1D500  }
0x3: {  	s17 =	simm.s32 $0x1C780;
	s15 =	simm.s32 $0x1CA80;
	s16 =	simm.s32 $0x1CB80  }
0x4: {  	s6 =	simm.s32 $0x1CC80;
	s7 =	simm.s32 $0x1CD80;
	s8 =	simm.s32 $0x1CE80  }
0x5: {  	s9 =	simm.s32 $0x1CF80;
	s10 =	simm.s32 $0x1D080;
	s11 =	simm.s32 $0x1D180  }
0x6: {  	s12 =	simm.s32 $0x1D280;
	s13 =	simm.s32 $0x1D380;
	s18 =	simm.s32 $0x1D480  }
0x7: {  	s19 =	simm.s32 $0x1D580;
	[smem:$0x7FF] =	sst s5;
	s22 =	sadd.s32 $0x800, s4  }
0x8: {  	s23 =	sadd.s32 $0x1000, s4;
	_ =	strace $0x80000047;
	[dreg:$0x5] =	wrdreg s22  }
0x9: {  	s20 =	simm.s32 $0x1D680;
	s24 =	sadd.s32 $0x1800, s4;
	[dreg:$0x6] =	wrdreg s23  }
0xa: {  	s21 =	simm.s32 $0x1;
	s25 =	sadd.s32 $0x2000, s4;
	[dreg:$0x7] =	wrdreg s24  }
0xb: {  	s0 =	sand.u32 $0x1, s0;
	s26 =	sadd.s32 $0x2800, s4;
	[dreg:$0x8] =	wrdreg s25  }
0xc: {  	s3 =	sshll.u32 s3, $0x1;
	s28 =	sadd.s32 $0x3000, s4;
	[dreg:$0x9] =	wrdreg s26  }
0xd: {  	s29 =	sadd.s32 $0x3800, s4;
	s4 =	simm.s32 $0x1D400;
	[dreg:$0xa] =	wrdreg s28  }
0xe: {  	s1 =	ssub.s32 $0x2, s0;
	s0 =	sor.u32 s0, s3;
	[dreg:$0xb] =	wrdreg s29  }
0xf: {  	s3 =	simm.s32 $0x1C980;
	s2 =	sshrl.u32 s1, $0x1;
	s0 =	smul.u32 $0x1A, s0  }
0x10: {  	s22 =	simm.s32 $0x2;
	s24 =	simm.s32 $0x0;
	s1 =	ssub.s32 s1, s2  }
0x11: {  	s2 =	simm.s32 $0x1D600;
	[dreg:$0x4] =	wrdreg s0;
	s30 =	smax.u32 s1, $0x1  }
0x12: {  	s0 =	simm.s32 $0x1D300;
	s1 =	simm.s32 $0x1C880;
	[dreg:$0xc] =	wrdreg s30  }
.LBB2_1:
0x13: {  	[dreg:$0xd] =	wrdreg s24;
	s24 =	simm.s32 $0xFFFFFFFF;
	s23 =	simm.s32 $0x0  }
.LBB2_2:
0x14: {  	s26 =	rddreg [dreg:$0x4]  }
0x15: {  	s26 =	sadd.s32 s26, s23  }
0x16: {  	s25 =	smov.u32 s24;
	p0 =	seq.s32 s23, $0x0;
	s24 =	sshrl.u32 s26, $0x5  }
0x17: {  	p1 =	seq.s32 @!p0 s24, s25  }
0x18: {  	p1 =	por p0, !p1  }
0x19: {  	s25 =	sshll.u32 @p1 s26, $0x6  }
0x1a: {  	s28 =	sshll.u32 @p1 s24, $0x4;
	s29 =	rddreg @p1 [dreg:$0x1];
	s25 =	sand.u32 @p1 $0xFFFC000, s25  }
0x1b: {  	s30 =	simm.s32 @p1 $0x18700;
	s28 =	sand.u32 @p1 $0x70, s28;
	s25 =	sadd.s32 @p1 s29, s25  }
0x1c: {  	s29 =	simm.s32 @p1 $0x400;
	s25 =	sadd.s32 @p1 s28, s25;
	s28 =	simm.s32 @p1 $0x80  }
0x1d: {  	[tilespmem:s30], [sflag:$0x3] =	stream.strided.gather @p1 [hbm4b:s25+s28], $0x4000, s29, s28, $0x38;
	[tilespmem:$0x1D700] =	vst v63  }
0x1e: {  	s25 =	simm.s32 @p1 $0x3  }
0x1f: {  	_ =	swait.ge @p1 [sflag:s25], $0x4000  }
0x20: {  	[sflag:s25] =	ssyncset.done @p1 $0x0  }
0x21: {  	[sflag:s25] =	ssyncadd.s32 @p1 $0xFFFFC000;
	s25 =	sshrl.u32 s26, $0x3  }
0x22: {  	s26 =	sshll.u32 s26, $0x7;
	s28 =	smul.u32 $0xC3800, s25  }
0x23: {  	s26 =	sand.u32 $0x380, s26  }
0x24: {  	s28 =	sor.u32 s26, s28  }
0x25: {  	s29 =	rddreg [dreg:$0x0];
	s28 =	sshrl.u32 s28, $0x3  }
0x26: {  	s30 =	simm.s32 $0x400;
	s28 =	sadd.s32 s29, s28;
	s29 =	simm.s32 $0x80  }
0x27: {  	[tilespmem:s5], [sflag:$0x3] =	stream.strided.gather [hbm4b:s28+s29], $0x18700, s30, s29, $0x38;
	[tilespmem:$0x1D700] =	vst v63  }
0x28: {  	s28 =	simm.s32 $0x3  }
0x29: {  	_ =	swait.ge [sflag:s28], $0x18700  }
0x2a: {  	[sflag:s28] =	ssyncset.done $0x0  }
0x2b: {  	[sflag:s28] =	ssyncadd.s32 $0xFFFE7900;
	s28 =	simm.s32 @!p0 $0x1  }
0x2c: {  	_ =	swait.ge @!p0 [sflag:s28], $0x800  }
0x2d: {  	[sflag:s28] =	ssyncset.done @!p0 $0x0  }
0x2e: {  	[sflag:s28] =	ssyncadd.s32 @!p0 $0xFFFFF800;
	s28 =	simm.s32 $0x18740  }
0x2f: {  	v0 =	vld [tilespmem:s28+$0x30]  }
0x30: {  	v1 =	vld [tilespmem:s28+$0xFFFFFFD0]  }
0x31: {  	v2 =	vld [tilespmem:s28+$0xFFFFFFE0]  }
0x32: {  	v3 =	vld [tilespmem:s28+$0xFFFFFFF0]  }
0x33: {  	v6 =	vld [tilespmem:s28+$0x0]  }
0x34: {  	v7 =	vld [tilespmem:s28+$0x10]  }
0x35: {  	v8 =	vld [tilespmem:s28+$0x20]  }
0x36: {  	v9 =	vld [tilespmem:s28+$0xFFFFFFC0]  }
0x37: {  	v10 =	vld.idx.msk [tilespmem:v0+s5+$0x0], $0xffff  }
0x38: {  	v11 =	vld.idx.msk [tilespmem:v1+s5+$0x0], $0xffff  }
0x39: {  	v5 =	vld.idx.msk [tilespmem:v2+s5+$0x0], $0xffff  }
0x3a: {  	v4 =	vld.idx.msk [tilespmem:v3+s5+$0x0], $0xffff  }
0x3b: {  	v3 =	vld.idx.msk [tilespmem:v6+s5+$0x0], $0xffff  }
0x3c: {  	s28 =	simm.s32 $0x1C740;
	v1 =	vld.idx.msk [tilespmem:v7+s5+$0x0], $0xffff  }
0x3d: {  	v0 =	vld.idx.msk [tilespmem:v8+s5+$0x0], $0xffff;
	[tilespmem:s28+$0x30] =	vst v10  }
0x3e: {  	s29 =	simm.s32 $0x0;
	s30 =	simm.s32 $0x187C0;
	v2 =	vld.idx.msk [tilespmem:v9+s5+$0x0], $0xffff;
	[tilespmem:s28+$0xFFFFFFD0] =	vst v11  }
.LBB2_3:
0x3f: {  	v6 =	vld [tilespmem:s30+$0x30];
	s29 =	sadd.s32 $0x80, s29;
	[tilespmem:s28+$0xFFFFFFE0] =	vst v5  }
0x40: {  	v5 =	vld [tilespmem:s30+$0xFFFFFFD0];
	p1 =	slt.u32 s29, $0x780;
	[tilespmem:s28+$0xFFFFFFF0] =	vst v4  }
0x41: {  	v4 =	vld [tilespmem:s30+$0xFFFFFFE0];
	[tilespmem:s28+$0x0] =	vst v3  }
0x42: {  	v3 =	vld [tilespmem:s30+$0xFFFFFFF0];
	[tilespmem:s28+$0x10] =	vst v1  }
0x43: {  	v1 =	vld [tilespmem:s30+$0x0];
	[tilespmem:s28+$0x20] =	vst v0  }
0x44: {  	v0 =	vld [tilespmem:s30+$0x10];
	[tilespmem:s28+$0xFFFFFFC0] =	vst v2  }
0x45: {  	v2 =	vld [tilespmem:s30+$0x20]  }
0x46: {  	v7 =	vld [tilespmem:s30+$0xFFFFFFC0]  }
0x47: {  	v6 =	vld.idx.msk [tilespmem:v6+s5+$0x0], $0xffff  }
0x48: {  	v8 =	vld.idx.msk [tilespmem:v5+s5+$0x0], $0xffff  }
0x49: {  	v5 =	vld.idx.msk [tilespmem:v4+s5+$0x0], $0xffff  }
.Ltmp0:
0x4a: {  	v4 =	vld.idx.msk [tilespmem:v3+s5+$0x0], $0xffff;
	(pc) =	sbr.rel @p1 .LBB2_3-.Ltmp0, $4  }
0x4b: {  	v3 =	vld.idx.msk [tilespmem:v1+s5+$0x0], $0xffff  }
0x4c: {  	s28 =	sadd.s32 $0x100, s28;
	v1 =	vld.idx.msk [tilespmem:v0+s5+$0x0], $0xffff  }
0x4d: {  	v0 =	vld.idx.msk [tilespmem:v2+s5+$0x0], $0xffff;
	[tilespmem:s28+$0x30] =	vst v6  }
0x4e: {  	s30 =	sadd.s32 $0x80, s30;
	v2 =	vld.idx.msk [tilespmem:v7+s5+$0x0], $0xffff;
	[tilespmem:s28+$0xFFFFFFD0] =	vst v8  }
0x4f: {  	[tilespmem:s28+$0xFFFFFFE0] =	vst v5  }
0x50: {  	[tilespmem:s28+$0xFFFFFFF0] =	vst v4  }
0x51: {  	s25 =	sshll.u32 s25, $0x11;
	[tilespmem:s28+$0x0] =	vst v3  }
0x52: {  	s25 =	sor.u32 s26, s25;
	[tilespmem:s28+$0x10] =	vst v1  }
0x53: {  	s30 =	rddreg [dreg:$0x2];
	s25 =	sshrl.u32 s25, $0x3;
	[tilespmem:s28+$0x20] =	vst v0  }
0x54: {  	s26 =	sadd.s32 s30, s25;
	[tilespmem:s28+$0xFFFFFFC0] =	vst v2;
	s28 =	simm.s32 $0x1C700  }
0x55: {  	[hbm4b:s26+s5] =	stream.linear.scatter [tilespmem:s28], [sflag:$0x1], $0x80, $0x38;
	[tilespmem:$0x1D700] =	vst v63  }
0x56: {  	s29 =	simm.s32 $0x1C800;
	s28 =	sadd.s32 $0x80, s26  }
0x57: {  	[hbm4b:s28+s5] =	stream.linear.scatter [tilespmem:s29], [sflag:$0x1], $0x80, $0x38;
	[tilespmem:$0x1D700] =	vst v63  }
0x58: {  	s28 =	sadd.s32 $0x100, s26;
	s29 =	simm.s32 $0x1C900  }
0x59: {  	[hbm4b:s28+s5] =	stream.linear.scatter [tilespmem:s29], [sflag:$0x1], $0x80, $0x38;
	[tilespmem:$0x1D700] =	vst v63  }
0x5a: {  	s28 =	sadd.s32 $0x180, s26;
	s29 =	simm.s32 $0x1CA00  }
0x5b: {  	[hbm4b:s28+s5] =	stream.linear.scatter [tilespmem:s29], [sflag:$0x1], $0x80, $0x38;
	[tilespmem:$0x1D700] =	vst v63  }
0x5c: {  	s28 =	sadd.s32 $0x200, s26;
	s29 =	simm.s32 $0x1CB00  }
0x5d: {  	[hbm4b:s28+s5] =	stream.linear.scatter [tilespmem:s29], [sflag:$0x1], $0x80, $0x38;
	[tilespmem:$0x1D700] =	vst v63  }
0x5e: {  	s28 =	sadd.s32 $0x280, s26;
	s29 =	simm.s32 $0x1CC00  }
0x5f: {  	[hbm4b:s28+s5] =	stream.linear.scatter [tilespmem:s29], [sflag:$0x1], $0x80, $0x38;
	[tilespmem:$0x1D700] =	vst v63  }
0x60: {  	s28 =	sadd.s32 $0x300, s26;
	s29 =	simm.s32 $0x1CD00  }
0x61: {  	[hbm4b:s28+s5] =	stream.linear.scatter [tilespmem:s29], [sflag:$0x1], $0x80, $0x38;
	[tilespmem:$0x1D700] =	vst v63  }
0x62: {  	s28 =	sadd.s32 $0x380, s26;
	s29 =	simm.s32 $0x1CE00  }
0x63: {  	[hbm4b:s28+s5] =	stream.linear.scatter [tilespmem:s29], [sflag:$0x1], $0x80, $0x38;
	[tilespmem:$0x1D700] =	vst v63  }
0x64: {  	s28 =	sadd.s32 $0x400, s26;
	s29 =	simm.s32 $0x1CF00  }
0x65: {  	[hbm4b:s28+s5] =	stream.linear.scatter [tilespmem:s29], [sflag:$0x1], $0x80, $0x38;
	[tilespmem:$0x1D700] =	vst v63  }
0x66: {  	s28 =	sadd.s32 $0x480, s26;
	s29 =	simm.s32 $0x1D000  }
0x67: {  	[hbm4b:s28+s5] =	stream.linear.scatter [tilespmem:s29], [sflag:$0x1], $0x80, $0x38;
	[tilespmem:$0x1D700] =	vst v63  }
0x68: {  	s28 =	sadd.s32 $0x500, s26;
	s29 =	simm.s32 $0x1D100  }
0x69: {  	[hbm4b:s28+s5] =	stream.linear.scatter [tilespmem:s29], [sflag:$0x1], $0x80, $0x38;
	[tilespmem:$0x1D700] =	vst v63  }
0x6a: {  	s28 =	sadd.s32 $0x580, s26  }
0x6b: {  	[hbm4b:s28+s5] =	stream.linear.scatter [tilespmem:s31], [sflag:$0x1], $0x80, $0x38;
	[tilespmem:$0x1D700] =	vst v63  }
0x6c: {  	s28 =	sadd.s32 $0x600, s26  }
0x6d: {  	[hbm4b:s28+s5] =	stream.linear.scatter [tilespmem:s0], [sflag:$0x1], $0x80, $0x38;
	[tilespmem:$0x1D700] =	vst v63  }
0x6e: {  	s28 =	sadd.s32 $0x680, s26  }
0x6f: {  	[hbm4b:s28+s5] =	stream.linear.scatter [tilespmem:s4], [sflag:$0x1], $0x80, $0x38;
	[tilespmem:$0x1D700] =	vst v63  }
0x70: {  	s28 =	sadd.s32 $0x700, s26  }
0x71: {  	[hbm4b:s28+s5] =	stream.linear.scatter [tilespmem:s14], [sflag:$0x1], $0x80, $0x38;
	[tilespmem:$0x1D700] =	vst v63  }
0x72: {  	s26 =	sadd.s32 $0x780, s26  }
0x73: {  	[hbm4b:s26+s5] =	stream.linear.scatter [tilespmem:s2], [sflag:$0x1], $0x80, $0x38;
	[tilespmem:$0x1D700] =	vst v63  }
0x74: {  	s26 =	simm.s32 @!p0 $0x2  }
0x75: {  	_ =	swait.ge @!p0 [sflag:s26], $0x800  }
0x76: {  	[sflag:s26] =	ssyncset.done @!p0 $0x0  }
0x77: {  	s30 =	simm.s32 $0x18F70;
	[sflag:s26] =	ssyncadd.s32 @!p0 $0xFFFFF800  }
0x78: {  	v0 =	vld [tilespmem:s30+$0x0]  }
0x79: {  	v1 =	vld [tilespmem:s30+$0xFFFFFFA0]  }
0x7a: {  	v2 =	vld [tilespmem:s30+$0xFFFFFFB0]  }
0x7b: {  	v3 =	vld [tilespmem:s30+$0xFFFFFFC0]  }
0x7c: {  	v4 =	vld [tilespmem:s30+$0xFFFFFFD0]  }
0x7d: {  	v6 =	vld [tilespmem:s30+$0xFFFFFFE0]  }
0x7e: {  	v7 =	vld [tilespmem:s30+$0xFFFFFFF0]  }
0x7f: {  	v8 =	vld [tilespmem:s30+$0xFFFFFF90]  }
0x80: {  	v9 =	vld.idx.msk [tilespmem:v0+s5+$0x0], $0xffff  }
0x81: {  	v10 =	vld.idx.msk [tilespmem:v1+s5+$0x0], $0xffff  }
0x82: {  	v5 =	vld.idx.msk [tilespmem:v2+s5+$0x0], $0xffff  }
0x83: {  	v3 =	vld.idx.msk [tilespmem:v3+s5+$0x0], $0xffff  }
0x84: {  	v0 =	vld.idx.msk [tilespmem:v4+s5+$0x0], $0xffff  }
0x85: {  	s26 =	simm.s32 $0x1C7F0;
	v1 =	vld.idx.msk [tilespmem:v6+s5+$0x0], $0xffff  }
0x86: {  	v2 =	vld.idx.msk [tilespmem:v7+s5+$0x0], $0xffff;
	[tilespmem:s26+$0x0] =	vst v9  }
0x87: {  	s29 =	simm.s32 $0x18FF0;
	s28 =	simm.s32 $0x0;
	v4 =	vld.idx.msk [tilespmem:v8+s5+$0x0], $0xffff;
	[tilespmem:s26+$0xFFFFFFA0] =	vst v10  }
.LBB2_5:
0x88: {  	v6 =	vld [tilespmem:s29+$0x0];
	s28 =	sadd.s32 $0x80, s28;
	[tilespmem:s26+$0xFFFFFFB0] =	vst v5  }
0x89: {  	v5 =	vld [tilespmem:s29+$0xFFFFFFA0];
	p0 =	slt.u32 s28, $0x780;
	[tilespmem:s26+$0xFFFFFFC0] =	vst v3  }
0x8a: {  	v3 =	vld [tilespmem:s29+$0xFFFFFFB0];
	[tilespmem:s26+$0xFFFFFFD0] =	vst v0  }
0x8b: {  	v0 =	vld [tilespmem:s29+$0xFFFFFFC0];
	[tilespmem:s26+$0xFFFFFFE0] =	vst v1  }
0x8c: {  	v1 =	vld [tilespmem:s29+$0xFFFFFFD0];
	[tilespmem:s26+$0xFFFFFFF0] =	vst v2  }
0x8d: {  	v2 =	vld [tilespmem:s29+$0xFFFFFFE0];
	[tilespmem:s26+$0xFFFFFF90] =	vst v4  }
0x8e: {  	v4 =	vld [tilespmem:s29+$0xFFFFFFF0]  }
0x8f: {  	v7 =	vld [tilespmem:s29+$0xFFFFFF90]  }
0x90: {  	v6 =	vld.idx.msk [tilespmem:v6+s5+$0x0], $0xffff  }
0x91: {  	v8 =	vld.idx.msk [tilespmem:v5+s5+$0x0], $0xffff  }
0x92: {  	v5 =	vld.idx.msk [tilespmem:v3+s5+$0x0], $0xffff  }
.Ltmp1:
0x93: {  	v3 =	vld.idx.msk [tilespmem:v0+s5+$0x0], $0xffff;
	(pc) =	sbr.rel @p0 .LBB2_5-.Ltmp1, $4  }
0x94: {  	v0 =	vld.idx.msk [tilespmem:v1+s5+$0x0], $0xffff  }
0x95: {  	s26 =	sadd.s32 $0x100, s26;
	v1 =	vld.idx.msk [tilespmem:v2+s5+$0x0], $0xffff  }
0x96: {  	v2 =	vld.idx.msk [tilespmem:v4+s5+$0x0], $0xffff;
	[tilespmem:s26+$0x0] =	vst v6  }
0x97: {  	s29 =	sadd.s32 $0x80, s29;
	v4 =	vld.idx.msk [tilespmem:v7+s5+$0x0], $0xffff;
	[tilespmem:s26+$0xFFFFFFA0] =	vst v8  }
0x98: {  	[tilespmem:s26+$0xFFFFFFB0] =	vst v5  }
0x99: {  	[tilespmem:s26+$0xFFFFFFC0] =	vst v3  }
0x9a: {  	[tilespmem:s26+$0xFFFFFFD0] =	vst v0  }
0x9b: {  	[tilespmem:s26+$0xFFFFFFE0] =	vst v1  }
0x9c: {  	[tilespmem:s26+$0xFFFFFFF0] =	vst v2  }
0x9d: {  	[tilespmem:s26+$0xFFFFFF90] =	vst v4  }
0x9e: {  	s26 =	rddreg [dreg:$0x5]  }
0x9f: {  	s26 =	sadd.s32 s25, s26  }
0xa0: {  	[hbm4b:s26+s5] =	stream.linear.scatter [tilespmem:s17], [sflag:$0x2], $0x80, $0x38;
	[tilespmem:$0x1D700] =	vst v63  }
0xa1: {  	s28 =	sadd.s32 $0x80, s26  }
0xa2: {  	[hbm4b:s28+s5] =	stream.linear.scatter [tilespmem:s1], [sflag:$0x2], $0x80, $0x38;
	[tilespmem:$0x1D700] =	vst v63  }
0xa3: {  	s28 =	sadd.s32 $0x100, s26  }
0xa4: {  	[hbm4b:s28+s5] =	stream.linear.scatter [tilespmem:s3], [sflag:$0x2], $0x80, $0x38;
	[tilespmem:$0x1D700] =	vst v63  }
0xa5: {  	s28 =	sadd.s32 $0x180, s26  }
0xa6: {  	[hbm4b:s28+s5] =	stream.linear.scatter [tilespmem:s15], [sflag:$0x2], $0x80, $0x38;
	[tilespmem:$0x1D700] =	vst v63  }
0xa7: {  	s28 =	sadd.s32 $0x200, s26  }
0xa8: {  	[hbm4b:s28+s5] =	stream.linear.scatter [tilespmem:s16], [sflag:$0x2], $0x80, $0x38;
	[tilespmem:$0x1D700] =	vst v63  }
0xa9: {  	s28 =	sadd.s32 $0x280, s26  }
0xaa: {  	[hbm4b:s28+s5] =	stream.linear.scatter [tilespmem:s6], [sflag:$0x2], $0x80, $0x38;
	[tilespmem:$0x1D700] =	vst v63  }
0xab: {  	s28 =	sadd.s32 $0x300, s26  }
0xac: {  	[hbm4b:s28+s5] =	stream.linear.scatter [tilespmem:s7], [sflag:$0x2], $0x80, $0x38;
	[tilespmem:$0x1D700] =	vst v63  }
0xad: {  	s28 =	sadd.s32 $0x380, s26  }
0xae: {  	[hbm4b:s28+s5] =	stream.linear.scatter [tilespmem:s8], [sflag:$0x2], $0x80, $0x38;
	[tilespmem:$0x1D700] =	vst v63  }
0xaf: {  	s28 =	sadd.s32 $0x400, s26  }
0xb0: {  	[hbm4b:s28+s5] =	stream.linear.scatter [tilespmem:s9], [sflag:$0x2], $0x80, $0x38;
	[tilespmem:$0x1D700] =	vst v63  }
0xb1: {  	s28 =	sadd.s32 $0x480, s26  }
0xb2: {  	[hbm4b:s28+s5] =	stream.linear.scatter [tilespmem:s10], [sflag:$0x2], $0x80, $0x38;
	[tilespmem:$0x1D700] =	vst v63  }
0xb3: {  	s28 =	sadd.s32 $0x500, s26  }
0xb4: {  	[hbm4b:s28+s5] =	stream.linear.scatter [tilespmem:s11], [sflag:$0x2], $0x80, $0x38;
	[tilespmem:$0x1D700] =	vst v63  }
0xb5: {  	s28 =	sadd.s32 $0x580, s26  }
0xb6: {  	[hbm4b:s28+s5] =	stream.linear.scatter [tilespmem:s12], [sflag:$0x2], $0x80, $0x38;
	[tilespmem:$0x1D700] =	vst v63  }
0xb7: {  	s28 =	sadd.s32 $0x600, s26  }
0xb8: {  	[hbm4b:s28+s5] =	stream.linear.scatter [tilespmem:s13], [sflag:$0x2], $0x80, $0x38;
	[tilespmem:$0x1D700] =	vst v63  }
0xb9: {  	s28 =	sadd.s32 $0x680, s26  }
0xba: {  	[hbm4b:s28+s5] =	stream.linear.scatter [tilespmem:s18], [sflag:$0x2], $0x80, $0x38;
	[tilespmem:$0x1D700] =	vst v63  }
0xbb: {  	s28 =	sadd.s32 $0x700, s26  }
0xbc: {  	[hbm4b:s28+s5] =	stream.linear.scatter [tilespmem:s19], [sflag:$0x2], $0x80, $0x38;
	[tilespmem:$0x1D700] =	vst v63  }
0xbd: {  	s26 =	sadd.s32 $0x780, s26  }
0xbe: {  	[hbm4b:s26+s5] =	stream.linear.scatter [tilespmem:s20], [sflag:$0x2], $0x80, $0x38;
	[tilespmem:$0x1D700] =	vst v63  }
0xbf: {  	_ =	swait.ge [sflag:s21], $0x800  }
0xc0: {  	[sflag:s21] =	ssyncset.done $0x0  }
0xc1: {  	s29 =	simm.s32 $0x19770;
	[sflag:s21] =	ssyncadd.s32 $0xFFFFF800  }
0xc2: {  	v0 =	vld [tilespmem:s29+$0x0]  }
0xc3: {  	v1 =	vld [tilespmem:s29+$0xFFFFFFA0]  }
0xc4: {  	v2 =	vld [tilespmem:s29+$0xFFFFFFB0]  }
0xc5: {  	v3 =	vld [tilespmem:s29+$0xFFFFFFC0]  }
0xc6: {  	v4 =	vld [tilespmem:s29+$0xFFFFFFD0]  }
0xc7: {  	v6 =	vld [tilespmem:s29+$0xFFFFFFE0]  }
0xc8: {  	v7 =	vld [tilespmem:s29+$0xFFFFFFF0]  }
0xc9: {  	v8 =	vld [tilespmem:s29+$0xFFFFFF90]  }
0xca: {  	v9 =	vld.idx.msk [tilespmem:v0+s5+$0x0], $0xffff  }
0xcb: {  	v10 =	vld.idx.msk [tilespmem:v1+s5+$0x0], $0xffff  }
0xcc: {  	v5 =	vld.idx.msk [tilespmem:v2+s5+$0x0], $0xffff  }
0xcd: {  	v3 =	vld.idx.msk [tilespmem:v3+s5+$0x0], $0xffff  }
0xce: {  	v2 =	vld.idx.msk [tilespmem:v4+s5+$0x0], $0xffff  }
0xcf: {  	s28 =	simm.s32 $0x1C740;
	v0 =	vld.idx.msk [tilespmem:v6+s5+$0x0], $0xffff  }
0xd0: {  	s26 =	rddreg [dreg:$0x6];
	v1 =	vld.idx.msk [tilespmem:v7+s5+$0x0], $0xffff;
	[tilespmem:s28+$0x30] =	vst v9  }
0xd1: {  	s30 =	simm.s32 $0x197F0;
	s26 =	sadd.s32 s25, s26;
	s29 =	simm.s32 $0x0;
	v4 =	vld.idx.msk [tilespmem:v8+s5+$0x0], $0xffff;
	[tilespmem:s28+$0xFFFFFFD0] =	vst v10  }
.LBB2_7:
0xd2: {  	v6 =	vld [tilespmem:s30+$0x0];
	s29 =	sadd.s32 $0x80, s29;
	[tilespmem:s28+$0xFFFFFFE0] =	vst v5  }
0xd3: {  	v5 =	vld [tilespmem:s30+$0xFFFFFFA0];
	p0 =	slt.u32 s29, $0x780;
	[tilespmem:s28+$0xFFFFFFF0] =	vst v3  }
0xd4: {  	v3 =	vld [tilespmem:s30+$0xFFFFFFB0];
	[tilespmem:s28+$0x0] =	vst v2  }
0xd5: {  	v2 =	vld [tilespmem:s30+$0xFFFFFFC0];
	[tilespmem:s28+$0x10] =	vst v0  }
0xd6: {  	v0 =	vld [tilespmem:s30+$0xFFFFFFD0];
	[tilespmem:s28+$0x20] =	vst v1  }
0xd7: {  	v1 =	vld [tilespmem:s30+$0xFFFFFFE0];
	[tilespmem:s28+$0xFFFFFFC0] =	vst v4  }
0xd8: {  	v4 =	vld [tilespmem:s30+$0xFFFFFFF0]  }
0xd9: {  	v7 =	vld [tilespmem:s30+$0xFFFFFF90]  }
0xda: {  	v6 =	vld.idx.msk [tilespmem:v6+s5+$0x0], $0xffff  }
0xdb: {  	v8 =	vld.idx.msk [tilespmem:v5+s5+$0x0], $0xffff  }
0xdc: {  	v5 =	vld.idx.msk [tilespmem:v3+s5+$0x0], $0xffff  }
.Ltmp2:
0xdd: {  	v3 =	vld.idx.msk [tilespmem:v2+s5+$0x0], $0xffff;
	(pc) =	sbr.rel @p0 .LBB2_7-.Ltmp2, $4  }
0xde: {  	v2 =	vld.idx.msk [tilespmem:v0+s5+$0x0], $0xffff  }
0xdf: {  	s28 =	sadd.s32 $0x100, s28;
	v0 =	vld.idx.msk [tilespmem:v1+s5+$0x0], $0xffff  }
0xe0: {  	v1 =	vld.idx.msk [tilespmem:v4+s5+$0x0], $0xffff;
	[tilespmem:s28+$0x30] =	vst v6  }
0xe1: {  	s30 =	sadd.s32 $0x80, s30;
	v4 =	vld.idx.msk [tilespmem:v7+s5+$0x0], $0xffff;
	[tilespmem:s28+$0xFFFFFFD0] =	vst v8  }
0xe2: {  	[tilespmem:s28+$0xFFFFFFE0] =	vst v5  }
0xe3: {  	[tilespmem:s28+$0xFFFFFFF0] =	vst v3  }
0xe4: {  	[tilespmem:s28+$0x0] =	vst v2  }
0xe5: {  	[tilespmem:s28+$0x10] =	vst v0  }
0xe6: {  	[tilespmem:s28+$0x20] =	vst v1  }
0xe7: {  	[tilespmem:s28+$0xFFFFFFC0] =	vst v4;
	s28 =	simm.s32 $0x1C700  }
0xe8: {  	[hbm4b:s26+s5] =	stream.linear.scatter [tilespmem:s28], [sflag:$0x1], $0x80, $0x38;
	[tilespmem:$0x1D700] =	vst v63  }
0xe9: {  	s29 =	simm.s32 $0x1C800;
	s28 =	sadd.s32 $0x80, s26  }
0xea: {  	[hbm4b:s28+s5] =	stream.linear.scatter [tilespmem:s29], [sflag:$0x1], $0x80, $0x38;
	[tilespmem:$0x1D700] =	vst v63  }
0xeb: {  	s28 =	sadd.s32 $0x100, s26;
	s29 =	simm.s32 $0x1C900  }
0xec: {  	[hbm4b:s28+s5] =	stream.linear.scatter [tilespmem:s29], [sflag:$0x1], $0x80, $0x38;
	[tilespmem:$0x1D700] =	vst v63  }
0xed: {  	s28 =	sadd.s32 $0x180, s26;
	s29 =	simm.s32 $0x1CA00  }
0xee: {  	[hbm4b:s28+s5] =	stream.linear.scatter [tilespmem:s29], [sflag:$0x1], $0x80, $0x38;
	[tilespmem:$0x1D700] =	vst v63  }
0xef: {  	s28 =	sadd.s32 $0x200, s26;
	s29 =	simm.s32 $0x1CB00  }
0xf0: {  	[hbm4b:s28+s5] =	stream.linear.scatter [tilespmem:s29], [sflag:$0x1], $0x80, $0x38;
	[tilespmem:$0x1D700] =	vst v63  }
0xf1: {  	s28 =	sadd.s32 $0x280, s26;
	s29 =	simm.s32 $0x1CC00  }
0xf2: {  	[hbm4b:s28+s5] =	stream.linear.scatter [tilespmem:s29], [sflag:$0x1], $0x80, $0x38;
	[tilespmem:$0x1D700] =	vst v63  }
0xf3: {  	s28 =	sadd.s32 $0x300, s26;
	s29 =	simm.s32 $0x1CD00  }
0xf4: {  	[hbm4b:s28+s5] =	stream.linear.scatter [tilespmem:s29], [sflag:$0x1], $0x80, $0x38;
	[tilespmem:$0x1D700] =	vst v63  }
0xf5: {  	s28 =	sadd.s32 $0x380, s26;
	s29 =	simm.s32 $0x1CE00  }
0xf6: {  	[hbm4b:s28+s5] =	stream.linear.scatter [tilespmem:s29], [sflag:$0x1], $0x80, $0x38;
	[tilespmem:$0x1D700] =	vst v63  }
0xf7: {  	s28 =	sadd.s32 $0x400, s26;
	s29 =	simm.s32 $0x1CF00  }
0xf8: {  	[hbm4b:s28+s5] =	stream.linear.scatter [tilespmem:s29], [sflag:$0x1], $0x80, $0x38;
	[tilespmem:$0x1D700] =	vst v63  }
0xf9: {  	s28 =	sadd.s32 $0x480, s26;
	s29 =	simm.s32 $0x1D000  }
0xfa: {  	[hbm4b:s28+s5] =	stream.linear.scatter [tilespmem:s29], [sflag:$0x1], $0x80, $0x38;
	[tilespmem:$0x1D700] =	vst v63  }
0xfb: {  	s28 =	sadd.s32 $0x500, s26;
	s29 =	simm.s32 $0x1D100  }
0xfc: {  	[hbm4b:s28+s5] =	stream.linear.scatter [tilespmem:s29], [sflag:$0x1], $0x80, $0x38;
	[tilespmem:$0x1D700] =	vst v63  }
0xfd: {  	s28 =	sadd.s32 $0x580, s26  }
0xfe: {  	[hbm4b:s28+s5] =	stream.linear.scatter [tilespmem:s31], [sflag:$0x1], $0x80, $0x38;
	[tilespmem:$0x1D700] =	vst v63  }
0xff: {  	s28 =	sadd.s32 $0x600, s26  }
0x100: {  	[hbm4b:s28+s5] =	stream.linear.scatter [tilespmem:s0], [sflag:$0x1], $0x80, $0x38;
	[tilespmem:$0x1D700] =	vst v63  }
0x101: {  	s28 =	sadd.s32 $0x680, s26  }
0x102: {  	[hbm4b:s28+s5] =	stream.linear.scatter [tilespmem:s4], [sflag:$0x1], $0x80, $0x38;
	[tilespmem:$0x1D700] =	vst v63  }
0x103: {  	s28 =	sadd.s32 $0x700, s26  }
0x104: {  	[hbm4b:s28+s5] =	stream.linear.scatter [tilespmem:s14], [sflag:$0x1], $0x80, $0x38;
	[tilespmem:$0x1D700] =	vst v63  }
0x105: {  	s26 =	sadd.s32 $0x780, s26  }
0x106: {  	[hbm4b:s26+s5] =	stream.linear.scatter [tilespmem:s2], [sflag:$0x1], $0x80, $0x38;
	[tilespmem:$0x1D700] =	vst v63  }
0x107: {  	_ =	swait.ge [sflag:s22], $0x800  }
0x108: {  	[sflag:s22] =	ssyncset.done $0x0  }
0x109: {  	s29 =	simm.s32 $0x19F70;
	[sflag:s22] =	ssyncadd.s32 $0xFFFFF800  }
0x10a: {  	v0 =	vld [tilespmem:s29+$0x0]  }
0x10b: {  	v1 =	vld [tilespmem:s29+$0xFFFFFFA0]  }
0x10c: {  	v2 =	vld [tilespmem:s29+$0xFFFFFFB0]  }
0x10d: {  	v3 =	vld [tilespmem:s29+$0xFFFFFFC0]  }
0x10e: {  	v4 =	vld [tilespmem:s29+$0xFFFFFFD0]  }
0x10f: {  	v6 =	vld [tilespmem:s29+$0xFFFFFFE0]  }
0x110: {  	v7 =	vld [tilespmem:s29+$0xFFFFFFF0]  }
0x111: {  	v8 =	vld [tilespmem:s29+$0xFFFFFF90]  }
0x112: {  	v9 =	vld.idx.msk [tilespmem:v0+s5+$0x0], $0xffff  }
0x113: {  	v10 =	vld.idx.msk [tilespmem:v1+s5+$0x0], $0xffff  }
0x114: {  	v5 =	vld.idx.msk [tilespmem:v2+s5+$0x0], $0xffff  }
0x115: {  	v3 =	vld.idx.msk [tilespmem:v3+s5+$0x0], $0xffff  }
0x116: {  	v2 =	vld.idx.msk [tilespmem:v4+s5+$0x0], $0xffff  }
0x117: {  	s28 =	simm.s32 $0x1C7F0;
	v0 =	vld.idx.msk [tilespmem:v6+s5+$0x0], $0xffff  }
0x118: {  	s26 =	rddreg [dreg:$0x7];
	v1 =	vld.idx.msk [tilespmem:v7+s5+$0x0], $0xffff;
	[tilespmem:s28+$0x0] =	vst v9  }
0x119: {  	s30 =	simm.s32 $0x19FF0;
	s26 =	sadd.s32 s25, s26;
	s29 =	simm.s32 $0x0;
	v4 =	vld.idx.msk [tilespmem:v8+s5+$0x0], $0xffff;
	[tilespmem:s28+$0xFFFFFFA0] =	vst v10  }
.LBB2_9:
0x11a: {  	v6 =	vld [tilespmem:s30+$0x0];
	s29 =	sadd.s32 $0x80, s29;
	[tilespmem:s28+$0xFFFFFFB0] =	vst v5  }
0x11b: {  	v5 =	vld [tilespmem:s30+$0xFFFFFFA0];
	p0 =	slt.u32 s29, $0x780;
	[tilespmem:s28+$0xFFFFFFC0] =	vst v3  }
0x11c: {  	v3 =	vld [tilespmem:s30+$0xFFFFFFB0];
	[tilespmem:s28+$0xFFFFFFD0] =	vst v2  }
0x11d: {  	v2 =	vld [tilespmem:s30+$0xFFFFFFC0];
	[tilespmem:s28+$0xFFFFFFE0] =	vst v0  }
0x11e: {  	v0 =	vld [tilespmem:s30+$0xFFFFFFD0];
	[tilespmem:s28+$0xFFFFFFF0] =	vst v1  }
0x11f: {  	v1 =	vld [tilespmem:s30+$0xFFFFFFE0];
	[tilespmem:s28+$0xFFFFFF90] =	vst v4  }
0x120: {  	v4 =	vld [tilespmem:s30+$0xFFFFFFF0]  }
0x121: {  	v7 =	vld [tilespmem:s30+$0xFFFFFF90]  }
0x122: {  	v6 =	vld.idx.msk [tilespmem:v6+s5+$0x0], $0xffff  }
0x123: {  	v8 =	vld.idx.msk [tilespmem:v5+s5+$0x0], $0xffff  }
0x124: {  	v5 =	vld.idx.msk [tilespmem:v3+s5+$0x0], $0xffff  }
.Ltmp3:
0x125: {  	v3 =	vld.idx.msk [tilespmem:v2+s5+$0x0], $0xffff;
	(pc) =	sbr.rel @p0 .LBB2_9-.Ltmp3, $4  }
0x126: {  	v2 =	vld.idx.msk [tilespmem:v0+s5+$0x0], $0xffff  }
0x127: {  	s28 =	sadd.s32 $0x100, s28;
	v0 =	vld.idx.msk [tilespmem:v1+s5+$0x0], $0xffff  }
0x128: {  	v1 =	vld.idx.msk [tilespmem:v4+s5+$0x0], $0xffff;
	[tilespmem:s28+$0x0] =	vst v6  }
0x129: {  	s30 =	sadd.s32 $0x80, s30;
	v4 =	vld.idx.msk [tilespmem:v7+s5+$0x0], $0xffff;
	[tilespmem:s28+$0xFFFFFFA0] =	vst v8  }
0x12a: {  	[tilespmem:s28+$0xFFFFFFB0] =	vst v5  }
0x12b: {  	[tilespmem:s28+$0xFFFFFFC0] =	vst v3  }
0x12c: {  	[tilespmem:s28+$0xFFFFFFD0] =	vst v2  }
0x12d: {  	[tilespmem:s28+$0xFFFFFFE0] =	vst v0  }
0x12e: {  	[tilespmem:s28+$0xFFFFFFF0] =	vst v1  }
0x12f: {  	[tilespmem:s28+$0xFFFFFF90] =	vst v4  }
0x130: {  	[hbm4b:s26+s5] =	stream.linear.scatter [tilespmem:s17], [sflag:$0x2], $0x80, $0x38;
	[tilespmem:$0x1D700] =	vst v63  }
0x131: {  	s28 =	sadd.s32 $0x80, s26  }
0x132: {  	[hbm4b:s28+s5] =	stream.linear.scatter [tilespmem:s1], [sflag:$0x2], $0x80, $0x38;
	[tilespmem:$0x1D700] =	vst v63  }
0x133: {  	s28 =	sadd.s32 $0x100, s26  }
0x134: {  	[hbm4b:s28+s5] =	stream.linear.scatter [tilespmem:s3], [sflag:$0x2], $0x80, $0x38;
	[tilespmem:$0x1D700] =	vst v63  }
0x135: {  	s28 =	sadd.s32 $0x180, s26  }
0x136: {  	[hbm4b:s28+s5] =	stream.linear.scatter [tilespmem:s15], [sflag:$0x2], $0x80, $0x38;
	[tilespmem:$0x1D700] =	vst v63  }
0x137: {  	s28 =	sadd.s32 $0x200, s26  }
0x138: {  	[hbm4b:s28+s5] =	stream.linear.scatter [tilespmem:s16], [sflag:$0x2], $0x80, $0x38;
	[tilespmem:$0x1D700] =	vst v63  }
0x139: {  	s28 =	sadd.s32 $0x280, s26  }
0x13a: {  	[hbm4b:s28+s5] =	stream.linear.scatter [tilespmem:s6], [sflag:$0x2], $0x80, $0x38;
	[tilespmem:$0x1D700] =	vst v63  }
0x13b: {  	s28 =	sadd.s32 $0x300, s26  }
0x13c: {  	[hbm4b:s28+s5] =	stream.linear.scatter [tilespmem:s7], [sflag:$0x2], $0x80, $0x38;
	[tilespmem:$0x1D700] =	vst v63  }
0x13d: {  	s28 =	sadd.s32 $0x380, s26  }
0x13e: {  	[hbm4b:s28+s5] =	stream.linear.scatter [tilespmem:s8], [sflag:$0x2], $0x80, $0x38;
	[tilespmem:$0x1D700] =	vst v63  }
0x13f: {  	s28 =	sadd.s32 $0x400, s26  }
0x140: {  	[hbm4b:s28+s5] =	stream.linear.scatter [tilespmem:s9], [sflag:$0x2], $0x80, $0x38;
	[tilespmem:$0x1D700] =	vst v63  }
0x141: {  	s28 =	sadd.s32 $0x480, s26  }
0x142: {  	[hbm4b:s28+s5] =	stream.linear.scatter [tilespmem:s10], [sflag:$0x2], $0x80, $0x38;
	[tilespmem:$0x1D700] =	vst v63  }
0x143: {  	s28 =	sadd.s32 $0x500, s26  }
0x144: {  	[hbm4b:s28+s5] =	stream.linear.scatter [tilespmem:s11], [sflag:$0x2], $0x80, $0x38;
	[tilespmem:$0x1D700] =	vst v63  }
0x145: {  	s28 =	sadd.s32 $0x580, s26  }
0x146: {  	[hbm4b:s28+s5] =	stream.linear.scatter [tilespmem:s12], [sflag:$0x2], $0x80, $0x38;
	[tilespmem:$0x1D700] =	vst v63  }
0x147: {  	s28 =	sadd.s32 $0x600, s26  }
0x148: {  	[hbm4b:s28+s5] =	stream.linear.scatter [tilespmem:s13], [sflag:$0x2], $0x80, $0x38;
	[tilespmem:$0x1D700] =	vst v63  }
0x149: {  	s28 =	sadd.s32 $0x680, s26  }
0x14a: {  	[hbm4b:s28+s5] =	stream.linear.scatter [tilespmem:s18], [sflag:$0x2], $0x80, $0x38;
	[tilespmem:$0x1D700] =	vst v63  }
0x14b: {  	s28 =	sadd.s32 $0x700, s26  }
0x14c: {  	[hbm4b:s28+s5] =	stream.linear.scatter [tilespmem:s19], [sflag:$0x2], $0x80, $0x38;
	[tilespmem:$0x1D700] =	vst v63  }
0x14d: {  	s26 =	sadd.s32 $0x780, s26  }
0x14e: {  	[hbm4b:s26+s5] =	stream.linear.scatter [tilespmem:s20], [sflag:$0x2], $0x80, $0x38;
	[tilespmem:$0x1D700] =	vst v63  }
0x14f: {  	_ =	swait.ge [sflag:s21], $0x800  }
0x150: {  	[sflag:s21] =	ssyncset.done $0x0  }
0x151: {  	s29 =	simm.s32 $0x1A770;
	[sflag:s21] =	ssyncadd.s32 $0xFFFFF800  }
0x152: {  	v0 =	vld [tilespmem:s29+$0x0]  }
0x153: {  	v1 =	vld [tilespmem:s29+$0xFFFFFFA0]  }
0x154: {  	v2 =	vld [tilespmem:s29+$0xFFFFFFB0]  }
0x155: {  	v3 =	vld [tilespmem:s29+$0xFFFFFFC0]  }
0x156: {  	v4 =	vld [tilespmem:s29+$0xFFFFFFD0]  }
0x157: {  	v6 =	vld [tilespmem:s29+$0xFFFFFFE0]  }
0x158: {  	v7 =	vld [tilespmem:s29+$0xFFFFFFF0]  }
0x159: {  	v8 =	vld [tilespmem:s29+$0xFFFFFF90]  }
0x15a: {  	v9 =	vld.idx.msk [tilespmem:v0+s5+$0x0], $0xffff  }
0x15b: {  	v10 =	vld.idx.msk [tilespmem:v1+s5+$0x0], $0xffff  }
0x15c: {  	v5 =	vld.idx.msk [tilespmem:v2+s5+$0x0], $0xffff  }
0x15d: {  	v3 =	vld.idx.msk [tilespmem:v3+s5+$0x0], $0xffff  }
0x15e: {  	v2 =	vld.idx.msk [tilespmem:v4+s5+$0x0], $0xffff  }
0x15f: {  	s28 =	simm.s32 $0x1C740;
	v0 =	vld.idx.msk [tilespmem:v6+s5+$0x0], $0xffff  }
0x160: {  	s26 =	rddreg [dreg:$0x8];
	v1 =	vld.idx.msk [tilespmem:v7+s5+$0x0], $0xffff;
	[tilespmem:s28+$0x30] =	vst v9  }
0x161: {  	s30 =	simm.s32 $0x1A7F0;
	s26 =	sadd.s32 s25, s26;
	s29 =	simm.s32 $0x0;
	v4 =	vld.idx.msk [tilespmem:v8+s5+$0x0], $0xffff;
	[tilespmem:s28+$0xFFFFFFD0] =	vst v10  }
.LBB2_11:
0x162: {  	v6 =	vld [tilespmem:s30+$0x0];
	s29 =	sadd.s32 $0x80, s29;
	[tilespmem:s28+$0xFFFFFFE0] =	vst v5  }
0x163: {  	v5 =	vld [tilespmem:s30+$0xFFFFFFA0];
	p0 =	slt.u32 s29, $0x780;
	[tilespmem:s28+$0xFFFFFFF0] =	vst v3  }
0x164: {  	v3 =	vld [tilespmem:s30+$0xFFFFFFB0];
	[tilespmem:s28+$0x0] =	vst v2  }
0x165: {  	v2 =	vld [tilespmem:s30+$0xFFFFFFC0];
	[tilespmem:s28+$0x10] =	vst v0  }
0x166: {  	v0 =	vld [tilespmem:s30+$0xFFFFFFD0];
	[tilespmem:s28+$0x20] =	vst v1  }
0x167: {  	v1 =	vld [tilespmem:s30+$0xFFFFFFE0];
	[tilespmem:s28+$0xFFFFFFC0] =	vst v4  }
0x168: {  	v4 =	vld [tilespmem:s30+$0xFFFFFFF0]  }
0x169: {  	v7 =	vld [tilespmem:s30+$0xFFFFFF90]  }
0x16a: {  	v6 =	vld.idx.msk [tilespmem:v6+s5+$0x0], $0xffff  }
0x16b: {  	v8 =	vld.idx.msk [tilespmem:v5+s5+$0x0], $0xffff  }
0x16c: {  	v5 =	vld.idx.msk [tilespmem:v3+s5+$0x0], $0xffff  }
.Ltmp4:
0x16d: {  	v3 =	vld.idx.msk [tilespmem:v2+s5+$0x0], $0xffff;
	(pc) =	sbr.rel @p0 .LBB2_11-.Ltmp4, $4  }
0x16e: {  	v2 =	vld.idx.msk [tilespmem:v0+s5+$0x0], $0xffff  }
0x16f: {  	s28 =	sadd.s32 $0x100, s28;
	v0 =	vld.idx.msk [tilespmem:v1+s5+$0x0], $0xffff  }
0x170: {  	v1 =	vld.idx.msk [tilespmem:v4+s5+$0x0], $0xffff;
	[tilespmem:s28+$0x30] =	vst v6  }
0x171: {  	s30 =	sadd.s32 $0x80, s30;
	v4 =	vld.idx.msk [tilespmem:v7+s5+$0x0], $0xffff;
	[tilespmem:s28+$0xFFFFFFD0] =	vst v8  }
0x172: {  	[tilespmem:s28+$0xFFFFFFE0] =	vst v5  }
0x173: {  	[tilespmem:s28+$0xFFFFFFF0] =	vst v3  }
0x174: {  	[tilespmem:s28+$0x0] =	vst v2  }
0x175: {  	[tilespmem:s28+$0x10] =	vst v0  }
0x176: {  	[tilespmem:s28+$0x20] =	vst v1  }
0x177: {  	[tilespmem:s28+$0xFFFFFFC0] =	vst v4;
	s28 =	simm.s32 $0x1C700  }
0x178: {  	[hbm4b:s26+s5] =	stream.linear.scatter [tilespmem:s28], [sflag:$0x1], $0x80, $0x38;
	[tilespmem:$0x1D700] =	vst v63  }
0x179: {  	s29 =	simm.s32 $0x1C800;
	s28 =	sadd.s32 $0x80, s26  }
0x17a: {  	[hbm4b:s28+s5] =	stream.linear.scatter [tilespmem:s29], [sflag:$0x1], $0x80, $0x38;
	[tilespmem:$0x1D700] =	vst v63  }
0x17b: {  	s28 =	sadd.s32 $0x100, s26;
	s29 =	simm.s32 $0x1C900  }
0x17c: {  	[hbm4b:s28+s5] =	stream.linear.scatter [tilespmem:s29], [sflag:$0x1], $0x80, $0x38;
	[tilespmem:$0x1D700] =	vst v63  }
0x17d: {  	s28 =	sadd.s32 $0x180, s26;
	s29 =	simm.s32 $0x1CA00  }
0x17e: {  	[hbm4b:s28+s5] =	stream.linear.scatter [tilespmem:s29], [sflag:$0x1], $0x80, $0x38;
	[tilespmem:$0x1D700] =	vst v63  }
0x17f: {  	s28 =	sadd.s32 $0x200, s26;
	s29 =	simm.s32 $0x1CB00  }
0x180: {  	[hbm4b:s28+s5] =	stream.linear.scatter [tilespmem:s29], [sflag:$0x1], $0x80, $0x38;
	[tilespmem:$0x1D700] =	vst v63  }
0x181: {  	s28 =	sadd.s32 $0x280, s26;
	s29 =	simm.s32 $0x1CC00  }
0x182: {  	[hbm4b:s28+s5] =	stream.linear.scatter [tilespmem:s29], [sflag:$0x1], $0x80, $0x38;
	[tilespmem:$0x1D700] =	vst v63  }
0x183: {  	s28 =	sadd.s32 $0x300, s26;
	s29 =	simm.s32 $0x1CD00  }
0x184: {  	[hbm4b:s28+s5] =	stream.linear.scatter [tilespmem:s29], [sflag:$0x1], $0x80, $0x38;
	[tilespmem:$0x1D700] =	vst v63  }
0x185: {  	s28 =	sadd.s32 $0x380, s26;
	s29 =	simm.s32 $0x1CE00  }
0x186: {  	[hbm4b:s28+s5] =	stream.linear.scatter [tilespmem:s29], [sflag:$0x1], $0x80, $0x38;
	[tilespmem:$0x1D700] =	vst v63  }
0x187: {  	s28 =	sadd.s32 $0x400, s26;
	s29 =	simm.s32 $0x1CF00  }
0x188: {  	[hbm4b:s28+s5] =	stream.linear.scatter [tilespmem:s29], [sflag:$0x1], $0x80, $0x38;
	[tilespmem:$0x1D700] =	vst v63  }
0x189: {  	s28 =	sadd.s32 $0x480, s26;
	s29 =	simm.s32 $0x1D000  }
0x18a: {  	[hbm4b:s28+s5] =	stream.linear.scatter [tilespmem:s29], [sflag:$0x1], $0x80, $0x38;
	[tilespmem:$0x1D700] =	vst v63  }
0x18b: {  	s28 =	sadd.s32 $0x500, s26;
	s29 =	simm.s32 $0x1D100  }
0x18c: {  	[hbm4b:s28+s5] =	stream.linear.scatter [tilespmem:s29], [sflag:$0x1], $0x80, $0x38;
	[tilespmem:$0x1D700] =	vst v63  }
0x18d: {  	s28 =	sadd.s32 $0x580, s26  }
0x18e: {  	[hbm4b:s28+s5] =	stream.linear.scatter [tilespmem:s31], [sflag:$0x1], $0x80, $0x38;
	[tilespmem:$0x1D700] =	vst v63  }
0x18f: {  	s28 =	sadd.s32 $0x600, s26  }
0x190: {  	[hbm4b:s28+s5] =	stream.linear.scatter [tilespmem:s0], [sflag:$0x1], $0x80, $0x38;
	[tilespmem:$0x1D700] =	vst v63  }
0x191: {  	s28 =	sadd.s32 $0x680, s26  }
0x192: {  	[hbm4b:s28+s5] =	stream.linear.scatter [tilespmem:s4], [sflag:$0x1], $0x80, $0x38;
	[tilespmem:$0x1D700] =	vst v63  }
0x193: {  	s28 =	sadd.s32 $0x700, s26  }
0x194: {  	[hbm4b:s28+s5] =	stream.linear.scatter [tilespmem:s14], [sflag:$0x1], $0x80, $0x38;
	[tilespmem:$0x1D700] =	vst v63  }
0x195: {  	s26 =	sadd.s32 $0x780, s26  }
0x196: {  	[hbm4b:s26+s5] =	stream.linear.scatter [tilespmem:s2], [sflag:$0x1], $0x80, $0x38;
	[tilespmem:$0x1D700] =	vst v63  }
0x197: {  	_ =	swait.ge [sflag:s22], $0x800  }
0x198: {  	[sflag:s22] =	ssyncset.done $0x0  }
0x199: {  	s29 =	simm.s32 $0x1AF70;
	[sflag:s22] =	ssyncadd.s32 $0xFFFFF800  }
0x19a: {  	v0 =	vld [tilespmem:s29+$0x0]  }
0x19b: {  	v1 =	vld [tilespmem:s29+$0xFFFFFFA0]  }
0x19c: {  	v2 =	vld [tilespmem:s29+$0xFFFFFFB0]  }
0x19d: {  	v3 =	vld [tilespmem:s29+$0xFFFFFFC0]  }
0x19e: {  	v4 =	vld [tilespmem:s29+$0xFFFFFFD0]  }
0x19f: {  	v6 =	vld [tilespmem:s29+$0xFFFFFFE0]  }
0x1a0: {  	v7 =	vld [tilespmem:s29+$0xFFFFFFF0]  }
0x1a1: {  	v8 =	vld [tilespmem:s29+$0xFFFFFF90]  }
0x1a2: {  	v9 =	vld.idx.msk [tilespmem:v0+s5+$0x0], $0xffff  }
0x1a3: {  	v10 =	vld.idx.msk [tilespmem:v1+s5+$0x0], $0xffff  }
0x1a4: {  	v5 =	vld.idx.msk [tilespmem:v2+s5+$0x0], $0xffff  }
0x1a5: {  	v3 =	vld.idx.msk [tilespmem:v3+s5+$0x0], $0xffff  }
0x1a6: {  	v2 =	vld.idx.msk [tilespmem:v4+s5+$0x0], $0xffff  }
0x1a7: {  	s28 =	simm.s32 $0x1C7F0;
	v0 =	vld.idx.msk [tilespmem:v6+s5+$0x0], $0xffff  }
0x1a8: {  	s26 =	rddreg [dreg:$0x9];
	v1 =	vld.idx.msk [tilespmem:v7+s5+$0x0], $0xffff;
	[tilespmem:s28+$0x0] =	vst v9  }
0x1a9: {  	s30 =	simm.s32 $0x1AFF0;
	s26 =	sadd.s32 s25, s26;
	s29 =	simm.s32 $0x0;
	v4 =	vld.idx.msk [tilespmem:v8+s5+$0x0], $0xffff;
	[tilespmem:s28+$0xFFFFFFA0] =	vst v10  }
.LBB2_13:
0x1aa: {  	v6 =	vld [tilespmem:s30+$0x0];
	s29 =	sadd.s32 $0x80, s29;
	[tilespmem:s28+$0xFFFFFFB0] =	vst v5  }
0x1ab: {  	v5 =	vld [tilespmem:s30+$0xFFFFFFA0];
	p0 =	slt.u32 s29, $0x780;
	[tilespmem:s28+$0xFFFFFFC0] =	vst v3  }
0x1ac: {  	v3 =	vld [tilespmem:s30+$0xFFFFFFB0];
	[tilespmem:s28+$0xFFFFFFD0] =	vst v2  }
0x1ad: {  	v2 =	vld [tilespmem:s30+$0xFFFFFFC0];
	[tilespmem:s28+$0xFFFFFFE0] =	vst v0  }
0x1ae: {  	v0 =	vld [tilespmem:s30+$0xFFFFFFD0];
	[tilespmem:s28+$0xFFFFFFF0] =	vst v1  }
0x1af: {  	v1 =	vld [tilespmem:s30+$0xFFFFFFE0];
	[tilespmem:s28+$0xFFFFFF90] =	vst v4  }
0x1b0: {  	v4 =	vld [tilespmem:s30+$0xFFFFFFF0]  }
0x1b1: {  	v7 =	vld [tilespmem:s30+$0xFFFFFF90]  }
0x1b2: {  	v6 =	vld.idx.msk [tilespmem:v6+s5+$0x0], $0xffff  }
0x1b3: {  	v8 =	vld.idx.msk [tilespmem:v5+s5+$0x0], $0xffff  }
0x1b4: {  	v5 =	vld.idx.msk [tilespmem:v3+s5+$0x0], $0xffff  }
.Ltmp5:
0x1b5: {  	v3 =	vld.idx.msk [tilespmem:v2+s5+$0x0], $0xffff;
	(pc) =	sbr.rel @p0 .LBB2_13-.Ltmp5, $4  }
0x1b6: {  	v2 =	vld.idx.msk [tilespmem:v0+s5+$0x0], $0xffff  }
0x1b7: {  	s28 =	sadd.s32 $0x100, s28;
	v0 =	vld.idx.msk [tilespmem:v1+s5+$0x0], $0xffff  }
0x1b8: {  	v1 =	vld.idx.msk [tilespmem:v4+s5+$0x0], $0xffff;
	[tilespmem:s28+$0x0] =	vst v6  }
0x1b9: {  	s30 =	sadd.s32 $0x80, s30;
	v4 =	vld.idx.msk [tilespmem:v7+s5+$0x0], $0xffff;
	[tilespmem:s28+$0xFFFFFFA0] =	vst v8  }
0x1ba: {  	[tilespmem:s28+$0xFFFFFFB0] =	vst v5  }
0x1bb: {  	[tilespmem:s28+$0xFFFFFFC0] =	vst v3  }
0x1bc: {  	[tilespmem:s28+$0xFFFFFFD0] =	vst v2  }
0x1bd: {  	[tilespmem:s28+$0xFFFFFFE0] =	vst v0  }
0x1be: {  	[tilespmem:s28+$0xFFFFFFF0] =	vst v1  }
0x1bf: {  	[tilespmem:s28+$0xFFFFFF90] =	vst v4  }
0x1c0: {  	[hbm4b:s26+s5] =	stream.linear.scatter [tilespmem:s17], [sflag:$0x2], $0x80, $0x38;
	[tilespmem:$0x1D700] =	vst v63  }
0x1c1: {  	s28 =	sadd.s32 $0x80, s26  }
0x1c2: {  	[hbm4b:s28+s5] =	stream.linear.scatter [tilespmem:s1], [sflag:$0x2], $0x80, $0x38;
	[tilespmem:$0x1D700] =	vst v63  }
0x1c3: {  	s28 =	sadd.s32 $0x100, s26  }
0x1c4: {  	[hbm4b:s28+s5] =	stream.linear.scatter [tilespmem:s3], [sflag:$0x2], $0x80, $0x38;
	[tilespmem:$0x1D700] =	vst v63  }
0x1c5: {  	s28 =	sadd.s32 $0x180, s26  }
0x1c6: {  	[hbm4b:s28+s5] =	stream.linear.scatter [tilespmem:s15], [sflag:$0x2], $0x80, $0x38;
	[tilespmem:$0x1D700] =	vst v63  }
0x1c7: {  	s28 =	sadd.s32 $0x200, s26  }
0x1c8: {  	[hbm4b:s28+s5] =	stream.linear.scatter [tilespmem:s16], [sflag:$0x2], $0x80, $0x38;
	[tilespmem:$0x1D700] =	vst v63  }
0x1c9: {  	s28 =	sadd.s32 $0x280, s26  }
0x1ca: {  	[hbm4b:s28+s5] =	stream.linear.scatter [tilespmem:s6], [sflag:$0x2], $0x80, $0x38;
	[tilespmem:$0x1D700] =	vst v63  }
0x1cb: {  	s28 =	sadd.s32 $0x300, s26  }
0x1cc: {  	[hbm4b:s28+s5] =	stream.linear.scatter [tilespmem:s7], [sflag:$0x2], $0x80, $0x38;
	[tilespmem:$0x1D700] =	vst v63  }
0x1cd: {  	s28 =	sadd.s32 $0x380, s26  }
0x1ce: {  	[hbm4b:s28+s5] =	stream.linear.scatter [tilespmem:s8], [sflag:$0x2], $0x80, $0x38;
	[tilespmem:$0x1D700] =	vst v63  }
0x1cf: {  	s28 =	sadd.s32 $0x400, s26  }
0x1d0: {  	[hbm4b:s28+s5] =	stream.linear.scatter [tilespmem:s9], [sflag:$0x2], $0x80, $0x38;
	[tilespmem:$0x1D700] =	vst v63  }
0x1d1: {  	s28 =	sadd.s32 $0x480, s26  }
0x1d2: {  	[hbm4b:s28+s5] =	stream.linear.scatter [tilespmem:s10], [sflag:$0x2], $0x80, $0x38;
	[tilespmem:$0x1D700] =	vst v63  }
0x1d3: {  	s28 =	sadd.s32 $0x500, s26  }
0x1d4: {  	[hbm4b:s28+s5] =	stream.linear.scatter [tilespmem:s11], [sflag:$0x2], $0x80, $0x38;
	[tilespmem:$0x1D700] =	vst v63  }
0x1d5: {  	s28 =	sadd.s32 $0x580, s26  }
0x1d6: {  	[hbm4b:s28+s5] =	stream.linear.scatter [tilespmem:s12], [sflag:$0x2], $0x80, $0x38;
	[tilespmem:$0x1D700] =	vst v63  }
0x1d7: {  	s28 =	sadd.s32 $0x600, s26  }
0x1d8: {  	[hbm4b:s28+s5] =	stream.linear.scatter [tilespmem:s13], [sflag:$0x2], $0x80, $0x38;
	[tilespmem:$0x1D700] =	vst v63  }
0x1d9: {  	s28 =	sadd.s32 $0x680, s26  }
0x1da: {  	[hbm4b:s28+s5] =	stream.linear.scatter [tilespmem:s18], [sflag:$0x2], $0x80, $0x38;
	[tilespmem:$0x1D700] =	vst v63  }
0x1db: {  	s28 =	sadd.s32 $0x700, s26  }
0x1dc: {  	[hbm4b:s28+s5] =	stream.linear.scatter [tilespmem:s19], [sflag:$0x2], $0x80, $0x38;
	[tilespmem:$0x1D700] =	vst v63  }
0x1dd: {  	s26 =	sadd.s32 $0x780, s26  }
0x1de: {  	[hbm4b:s26+s5] =	stream.linear.scatter [tilespmem:s20], [sflag:$0x2], $0x80, $0x38;
	[tilespmem:$0x1D700] =	vst v63  }
0x1df: {  	_ =	swait.ge [sflag:s21], $0x800  }
0x1e0: {  	[sflag:s21] =	ssyncset.done $0x0  }
0x1e1: {  	s29 =	simm.s32 $0x1B770;
	[sflag:s21] =	ssyncadd.s32 $0xFFFFF800  }
0x1e2: {  	v0 =	vld [tilespmem:s29+$0x0]  }
0x1e3: {  	v1 =	vld [tilespmem:s29+$0xFFFFFFA0]  }
0x1e4: {  	v2 =	vld [tilespmem:s29+$0xFFFFFFB0]  }
0x1e5: {  	v3 =	vld [tilespmem:s29+$0xFFFFFFC0]  }
0x1e6: {  	v4 =	vld [tilespmem:s29+$0xFFFFFFD0]  }
0x1e7: {  	v6 =	vld [tilespmem:s29+$0xFFFFFFE0]  }
0x1e8: {  	v7 =	vld [tilespmem:s29+$0xFFFFFFF0]  }
0x1e9: {  	v8 =	vld [tilespmem:s29+$0xFFFFFF90]  }
0x1ea: {  	v9 =	vld.idx.msk [tilespmem:v0+s5+$0x0], $0xffff  }
0x1eb: {  	v10 =	vld.idx.msk [tilespmem:v1+s5+$0x0], $0xffff  }
0x1ec: {  	v5 =	vld.idx.msk [tilespmem:v2+s5+$0x0], $0xffff  }
0x1ed: {  	v3 =	vld.idx.msk [tilespmem:v3+s5+$0x0], $0xffff  }
0x1ee: {  	v2 =	vld.idx.msk [tilespmem:v4+s5+$0x0], $0xffff  }
0x1ef: {  	s28 =	simm.s32 $0x1C740;
	v0 =	vld.idx.msk [tilespmem:v6+s5+$0x0], $0xffff  }
0x1f0: {  	s26 =	rddreg [dreg:$0xa];
	v1 =	vld.idx.msk [tilespmem:v7+s5+$0x0], $0xffff;
	[tilespmem:s28+$0x30] =	vst v9  }
0x1f1: {  	s30 =	simm.s32 $0x1B7F0;
	s26 =	sadd.s32 s25, s26;
	s29 =	simm.s32 $0x0;
	v4 =	vld.idx.msk [tilespmem:v8+s5+$0x0], $0xffff;
	[tilespmem:s28+$0xFFFFFFD0] =	vst v10  }
.LBB2_15:
0x1f2: {  	v6 =	vld [tilespmem:s30+$0x0];
	s29 =	sadd.s32 $0x80, s29;
	[tilespmem:s28+$0xFFFFFFE0] =	vst v5  }
0x1f3: {  	v5 =	vld [tilespmem:s30+$0xFFFFFFA0];
	p0 =	slt.u32 s29, $0x780;
	[tilespmem:s28+$0xFFFFFFF0] =	vst v3  }
0x1f4: {  	v3 =	vld [tilespmem:s30+$0xFFFFFFB0];
	[tilespmem:s28+$0x0] =	vst v2  }
0x1f5: {  	v2 =	vld [tilespmem:s30+$0xFFFFFFC0];
	[tilespmem:s28+$0x10] =	vst v0  }
0x1f6: {  	v0 =	vld [tilespmem:s30+$0xFFFFFFD0];
	[tilespmem:s28+$0x20] =	vst v1  }
0x1f7: {  	v1 =	vld [tilespmem:s30+$0xFFFFFFE0];
	[tilespmem:s28+$0xFFFFFFC0] =	vst v4  }
0x1f8: {  	v4 =	vld [tilespmem:s30+$0xFFFFFFF0]  }
0x1f9: {  	v7 =	vld [tilespmem:s30+$0xFFFFFF90]  }
0x1fa: {  	v6 =	vld.idx.msk [tilespmem:v6+s5+$0x0], $0xffff  }
0x1fb: {  	v8 =	vld.idx.msk [tilespmem:v5+s5+$0x0], $0xffff  }
0x1fc: {  	v5 =	vld.idx.msk [tilespmem:v3+s5+$0x0], $0xffff  }
.Ltmp6:
0x1fd: {  	v3 =	vld.idx.msk [tilespmem:v2+s5+$0x0], $0xffff;
	(pc) =	sbr.rel @p0 .LBB2_15-.Ltmp6, $4  }
0x1fe: {  	v2 =	vld.idx.msk [tilespmem:v0+s5+$0x0], $0xffff  }
0x1ff: {  	s28 =	sadd.s32 $0x100, s28;
	v0 =	vld.idx.msk [tilespmem:v1+s5+$0x0], $0xffff  }
0x200: {  	v1 =	vld.idx.msk [tilespmem:v4+s5+$0x0], $0xffff;
	[tilespmem:s28+$0x30] =	vst v6  }
0x201: {  	s30 =	sadd.s32 $0x80, s30;
	v4 =	vld.idx.msk [tilespmem:v7+s5+$0x0], $0xffff;
	[tilespmem:s28+$0xFFFFFFD0] =	vst v8  }
0x202: {  	[tilespmem:s28+$0xFFFFFFE0] =	vst v5  }
0x203: {  	[tilespmem:s28+$0xFFFFFFF0] =	vst v3  }
0x204: {  	[tilespmem:s28+$0x0] =	vst v2  }
0x205: {  	[tilespmem:s28+$0x10] =	vst v0  }
0x206: {  	[tilespmem:s28+$0x20] =	vst v1  }
0x207: {  	[tilespmem:s28+$0xFFFFFFC0] =	vst v4;
	s28 =	simm.s32 $0x1C700  }
0x208: {  	[hbm4b:s26+s5] =	stream.linear.scatter [tilespmem:s28], [sflag:$0x1], $0x80, $0x38;
	[tilespmem:$0x1D700] =	vst v63  }
0x209: {  	s29 =	simm.s32 $0x1C800;
	s28 =	sadd.s32 $0x80, s26  }
0x20a: {  	[hbm4b:s28+s5] =	stream.linear.scatter [tilespmem:s29], [sflag:$0x1], $0x80, $0x38;
	[tilespmem:$0x1D700] =	vst v63  }
0x20b: {  	s28 =	sadd.s32 $0x100, s26;
	s29 =	simm.s32 $0x1C900  }
0x20c: {  	[hbm4b:s28+s5] =	stream.linear.scatter [tilespmem:s29], [sflag:$0x1], $0x80, $0x38;
	[tilespmem:$0x1D700] =	vst v63  }
0x20d: {  	s28 =	sadd.s32 $0x180, s26;
	s29 =	simm.s32 $0x1CA00  }
0x20e: {  	[hbm4b:s28+s5] =	stream.linear.scatter [tilespmem:s29], [sflag:$0x1], $0x80, $0x38;
	[tilespmem:$0x1D700] =	vst v63  }
0x20f: {  	s28 =	sadd.s32 $0x200, s26;
	s29 =	simm.s32 $0x1CB00  }
0x210: {  	[hbm4b:s28+s5] =	stream.linear.scatter [tilespmem:s29], [sflag:$0x1], $0x80, $0x38;
	[tilespmem:$0x1D700] =	vst v63  }
0x211: {  	s28 =	sadd.s32 $0x280, s26;
	s29 =	simm.s32 $0x1CC00  }
0x212: {  	[hbm4b:s28+s5] =	stream.linear.scatter [tilespmem:s29], [sflag:$0x1], $0x80, $0x38;
	[tilespmem:$0x1D700] =	vst v63  }
0x213: {  	s28 =	sadd.s32 $0x300, s26;
	s29 =	simm.s32 $0x1CD00  }
0x214: {  	[hbm4b:s28+s5] =	stream.linear.scatter [tilespmem:s29], [sflag:$0x1], $0x80, $0x38;
	[tilespmem:$0x1D700] =	vst v63  }
0x215: {  	s28 =	sadd.s32 $0x380, s26;
	s29 =	simm.s32 $0x1CE00  }
0x216: {  	[hbm4b:s28+s5] =	stream.linear.scatter [tilespmem:s29], [sflag:$0x1], $0x80, $0x38;
	[tilespmem:$0x1D700] =	vst v63  }
0x217: {  	s28 =	sadd.s32 $0x400, s26;
	s29 =	simm.s32 $0x1CF00  }
0x218: {  	[hbm4b:s28+s5] =	stream.linear.scatter [tilespmem:s29], [sflag:$0x1], $0x80, $0x38;
	[tilespmem:$0x1D700] =	vst v63  }
0x219: {  	s28 =	sadd.s32 $0x480, s26;
	s29 =	simm.s32 $0x1D000  }
0x21a: {  	[hbm4b:s28+s5] =	stream.linear.scatter [tilespmem:s29], [sflag:$0x1], $0x80, $0x38;
	[tilespmem:$0x1D700] =	vst v63  }
0x21b: {  	s28 =	sadd.s32 $0x500, s26;
	s29 =	simm.s32 $0x1D100  }
0x21c: {  	[hbm4b:s28+s5] =	stream.linear.scatter [tilespmem:s29], [sflag:$0x1], $0x80, $0x38;
	[tilespmem:$0x1D700] =	vst v63  }
0x21d: {  	s28 =	sadd.s32 $0x580, s26  }
0x21e: {  	[hbm4b:s28+s5] =	stream.linear.scatter [tilespmem:s31], [sflag:$0x1], $0x80, $0x38;
	[tilespmem:$0x1D700] =	vst v63  }
0x21f: {  	s28 =	sadd.s32 $0x600, s26  }
0x220: {  	[hbm4b:s28+s5] =	stream.linear.scatter [tilespmem:s0], [sflag:$0x1], $0x80, $0x38;
	[tilespmem:$0x1D700] =	vst v63  }
0x221: {  	s28 =	sadd.s32 $0x680, s26  }
0x222: {  	[hbm4b:s28+s5] =	stream.linear.scatter [tilespmem:s4], [sflag:$0x1], $0x80, $0x38;
	[tilespmem:$0x1D700] =	vst v63  }
0x223: {  	s28 =	sadd.s32 $0x700, s26  }
0x224: {  	[hbm4b:s28+s5] =	stream.linear.scatter [tilespmem:s14], [sflag:$0x1], $0x80, $0x38;
	[tilespmem:$0x1D700] =	vst v63  }
0x225: {  	s30 =	sadd.s32 $0x780, s26  }
0x226: {  	[hbm4b:s30+s5] =	stream.linear.scatter [tilespmem:s2], [sflag:$0x1], $0x80, $0x38;
	[tilespmem:$0x1D700] =	vst v63  }
0x227: {  	_ =	swait.ge [sflag:s22], $0x800  }
0x228: {  	[sflag:s22] =	ssyncset.done $0x0  }
0x229: {  	s28 =	simm.s32 $0x1BF70;
	[sflag:s22] =	ssyncadd.s32 $0xFFFFF800  }
0x22a: {  	v0 =	vld [tilespmem:s28+$0x0]  }
0x22b: {  	v1 =	vld [tilespmem:s28+$0xFFFFFFA0]  }
0x22c: {  	v2 =	vld [tilespmem:s28+$0xFFFFFFB0]  }
0x22d: {  	v3 =	vld [tilespmem:s28+$0xFFFFFFC0]  }
0x22e: {  	v4 =	vld [tilespmem:s28+$0xFFFFFFD0]  }
0x22f: {  	v6 =	vld [tilespmem:s28+$0xFFFFFFE0]  }
0x230: {  	v7 =	vld [tilespmem:s28+$0xFFFFFFF0]  }
0x231: {  	v8 =	vld [tilespmem:s28+$0xFFFFFF90]  }
0x232: {  	v9 =	vld.idx.msk [tilespmem:v0+s5+$0x0], $0xffff  }
0x233: {  	v10 =	vld.idx.msk [tilespmem:v1+s5+$0x0], $0xffff  }
0x234: {  	v5 =	vld.idx.msk [tilespmem:v2+s5+$0x0], $0xffff  }
0x235: {  	v3 =	vld.idx.msk [tilespmem:v3+s5+$0x0], $0xffff  }
0x236: {  	v2 =	vld.idx.msk [tilespmem:v4+s5+$0x0], $0xffff  }
0x237: {  	s26 =	simm.s32 $0x1C7F0;
	v0 =	vld.idx.msk [tilespmem:v6+s5+$0x0], $0xffff  }
0x238: {  	s30 =	rddreg [dreg:$0xb];
	v1 =	vld.idx.msk [tilespmem:v7+s5+$0x0], $0xffff;
	[tilespmem:s26+$0x0] =	vst v9  }
0x239: {  	s29 =	simm.s32 $0x1BFF0;
	s25 =	sadd.s32 s25, s30;
	s28 =	simm.s32 $0x0;
	v4 =	vld.idx.msk [tilespmem:v8+s5+$0x0], $0xffff;
	[tilespmem:s26+$0xFFFFFFA0] =	vst v10  }
.LBB2_17:
0x23a: {  	v6 =	vld [tilespmem:s29+$0x0];
	s28 =	sadd.s32 $0x80, s28;
	[tilespmem:s26+$0xFFFFFFB0] =	vst v5  }
0x23b: {  	v5 =	vld [tilespmem:s29+$0xFFFFFFA0];
	p0 =	slt.u32 s28, $0x780;
	[tilespmem:s26+$0xFFFFFFC0] =	vst v3  }
0x23c: {  	v3 =	vld [tilespmem:s29+$0xFFFFFFB0];
	[tilespmem:s26+$0xFFFFFFD0] =	vst v2  }
0x23d: {  	v2 =	vld [tilespmem:s29+$0xFFFFFFC0];
	[tilespmem:s26+$0xFFFFFFE0] =	vst v0  }
0x23e: {  	v0 =	vld [tilespmem:s29+$0xFFFFFFD0];
	[tilespmem:s26+$0xFFFFFFF0] =	vst v1  }
0x23f: {  	v1 =	vld [tilespmem:s29+$0xFFFFFFE0];
	[tilespmem:s26+$0xFFFFFF90] =	vst v4  }
0x240: {  	v4 =	vld [tilespmem:s29+$0xFFFFFFF0]  }
0x241: {  	v7 =	vld [tilespmem:s29+$0xFFFFFF90]  }
0x242: {  	v6 =	vld.idx.msk [tilespmem:v6+s5+$0x0], $0xffff  }
0x243: {  	v8 =	vld.idx.msk [tilespmem:v5+s5+$0x0], $0xffff  }
0x244: {  	v5 =	vld.idx.msk [tilespmem:v3+s5+$0x0], $0xffff  }
.Ltmp7:
0x245: {  	v3 =	vld.idx.msk [tilespmem:v2+s5+$0x0], $0xffff;
	(pc) =	sbr.rel @p0 .LBB2_17-.Ltmp7, $4  }
0x246: {  	v2 =	vld.idx.msk [tilespmem:v0+s5+$0x0], $0xffff  }
0x247: {  	s26 =	sadd.s32 $0x100, s26;
	v0 =	vld.idx.msk [tilespmem:v1+s5+$0x0], $0xffff  }
0x248: {  	v1 =	vld.idx.msk [tilespmem:v4+s5+$0x0], $0xffff;
	[tilespmem:s26+$0x0] =	vst v6  }
0x249: {  	s29 =	sadd.s32 $0x80, s29;
	v4 =	vld.idx.msk [tilespmem:v7+s5+$0x0], $0xffff;
	[tilespmem:s26+$0xFFFFFFA0] =	vst v8  }
0x24a: {  	[tilespmem:s26+$0xFFFFFFB0] =	vst v5  }
0x24b: {  	[tilespmem:s26+$0xFFFFFFC0] =	vst v3  }
0x24c: {  	[tilespmem:s26+$0xFFFFFFD0] =	vst v2  }
0x24d: {  	[tilespmem:s26+$0xFFFFFFE0] =	vst v0  }
0x24e: {  	[tilespmem:s26+$0xFFFFFFF0] =	vst v1  }
0x24f: {  	[tilespmem:s26+$0xFFFFFF90] =	vst v4  }
0x250: {  	[hbm4b:s25+s5] =	stream.linear.scatter [tilespmem:s17], [sflag:$0x2], $0x80, $0x38;
	[tilespmem:$0x1D700] =	vst v63  }
0x251: {  	s28 =	sadd.s32 $0x80, s25  }
0x252: {  	[hbm4b:s28+s5] =	stream.linear.scatter [tilespmem:s1], [sflag:$0x2], $0x80, $0x38;
	[tilespmem:$0x1D700] =	vst v63  }
0x253: {  	s29 =	sadd.s32 $0x100, s25  }
0x254: {  	[hbm4b:s29+s5] =	stream.linear.scatter [tilespmem:s3], [sflag:$0x2], $0x80, $0x38;
	[tilespmem:$0x1D700] =	vst v63  }
0x255: {  	s30 =	sadd.s32 $0x180, s25  }
0x256: {  	[hbm4b:s30+s5] =	stream.linear.scatter [tilespmem:s15], [sflag:$0x2], $0x80, $0x38;
	[tilespmem:$0x1D700] =	vst v63  }
0x257: {  	s28 =	sadd.s32 $0x200, s25  }
0x258: {  	[hbm4b:s28+s5] =	stream.linear.scatter [tilespmem:s16], [sflag:$0x2], $0x80, $0x38;
	[tilespmem:$0x1D700] =	vst v63  }
0x259: {  	s29 =	sadd.s32 $0x280, s25  }
0x25a: {  	[hbm4b:s29+s5] =	stream.linear.scatter [tilespmem:s6], [sflag:$0x2], $0x80, $0x38;
	[tilespmem:$0x1D700] =	vst v63  }
0x25b: {  	s30 =	sadd.s32 $0x300, s25  }
0x25c: {  	[hbm4b:s30+s5] =	stream.linear.scatter [tilespmem:s7], [sflag:$0x2], $0x80, $0x38;
	[tilespmem:$0x1D700] =	vst v63  }
0x25d: {  	s28 =	sadd.s32 $0x380, s25  }
0x25e: {  	[hbm4b:s28+s5] =	stream.linear.scatter [tilespmem:s8], [sflag:$0x2], $0x80, $0x38;
	[tilespmem:$0x1D700] =	vst v63  }
0x25f: {  	s29 =	sadd.s32 $0x400, s25  }
0x260: {  	[hbm4b:s29+s5] =	stream.linear.scatter [tilespmem:s9], [sflag:$0x2], $0x80, $0x38;
	[tilespmem:$0x1D700] =	vst v63  }
0x261: {  	s30 =	sadd.s32 $0x480, s25  }
0x262: {  	[hbm4b:s30+s5] =	stream.linear.scatter [tilespmem:s10], [sflag:$0x2], $0x80, $0x38;
	[tilespmem:$0x1D700] =	vst v63  }
0x263: {  	s28 =	sadd.s32 $0x500, s25  }
0x264: {  	[hbm4b:s28+s5] =	stream.linear.scatter [tilespmem:s11], [sflag:$0x2], $0x80, $0x38;
	[tilespmem:$0x1D700] =	vst v63  }
0x265: {  	s29 =	sadd.s32 $0x580, s25  }
0x266: {  	[hbm4b:s29+s5] =	stream.linear.scatter [tilespmem:s12], [sflag:$0x2], $0x80, $0x38;
	[tilespmem:$0x1D700] =	vst v63  }
0x267: {  	s23 =	sadd.s32 $0x1, s23;
	s30 =	sadd.s32 $0x600, s25  }
0x268: {  	[hbm4b:s30+s5] =	stream.linear.scatter [tilespmem:s13], [sflag:$0x2], $0x80, $0x38;
	[tilespmem:$0x1D700] =	vst v63  }
0x269: {  	p0 =	seq.s32 s23, $0x1A;
	s28 =	sadd.s32 $0x680, s25  }
0x26a: {  	[hbm4b:s28+s5] =	stream.linear.scatter [tilespmem:s18], [sflag:$0x2], $0x80, $0x38;
	[tilespmem:$0x1D700] =	vst v63  }
.Ltmp8:
0x26b: {  	_ = 	snop;
	(pc) =	sbr.rel @!p0 .LBB2_2-.Ltmp8, $4  }
0x26c: {  	s29 =	sadd.s32 $0x700, s25  }
0x26d: {  	[hbm4b:s29+s5] =	stream.linear.scatter [tilespmem:s19], [sflag:$0x2], $0x80, $0x38;
	[tilespmem:$0x1D700] =	vst v63  }
0x26e: {  	s30 =	sadd.s32 $0x780, s25  }
0x26f: {  	[hbm4b:s30+s5] =	stream.linear.scatter [tilespmem:s20], [sflag:$0x2], $0x80, $0x38;
	[tilespmem:$0x1D700] =	vst v63  }
0x270: {  	_ =	swait.ge [sflag:s21], $0x800  }
0x271: {  	[sflag:s21] =	ssyncset.done $0x0  }
0x272: {  	[sflag:s21] =	ssyncadd.s32 $0xFFFFF800  }
0x273: {  	_ =	swait.ge [sflag:s22], $0x800  }
0x274: {  	s24 =	rddreg [dreg:$0xd]  }
0x275: {  	s23 =	rddreg [dreg:$0xc];
	s24 =	sadd.s32 $0x1, s24  }
0x276: {  	p0 =	sne.s32 s24, s23  }
.Ltmp9:
0x277: {  	_ = 	snop;
	(pc) =	sbr.rel @p0 .LBB2_1-.Ltmp9, $3  }
0x278: {  	_ =	sdelay $0x1  }
0x279: {  	[sflag:s22] =	ssyncset.done $0x0  }
0x27a: {  	[sflag:s22] =	ssyncadd.s32 $0xFFFFF800  }
0x27b: {  	_ =	sfence.sel $0x180000  }
0x27c: {  	[bflag:$0x0] =	sbarrier.arrive $0xFFFF  }
0x27d: {  	_ =	strace $0x90000047  }
0x27e: {  	s0 =	stileid.u32;
	[bflag:$0x2] =	sbarrier.arrive $0xFFFF  }
0x27f: {  	p0 =	sne.s32 s0, $0x0;
	s0 =	rddreg [dreg:$0x3]  }
0x280: {  	s0 =	sadd.s32 @!p0 $0x100000, s0  }
0x281: {  	[sflag:s0] =	ssyncadd.tile.s32 @!p0 $0x1;
	_ =	shalt  }
.Lfunc_end2:
_tile_overlayer_lowered:
.L_overlay_start_2:
0x282: {  	(tag) =	ssettag $0x2  }
0x283: {  	s0 =	rddreg [dreg:$0x0];
	s2 =	stileid.u32  }
0x284: {  	s1 =	rddreg [dreg:$0x1];
	p0 =	sne.s32 s2, $0x0  }
0x285: {  	s3 =	rddreg [dreg:$0x2];
	[bflag:$0x3] =	sbarrier.arrive $0xFFFF;
	s2 =	simm.s32 @!p0 $0x1C03  }
0x286: {  	[timem:s3], [sflag:s2] =	dma.local @!p0 [hbm:s0], s1  }
0x287: {  	s0 =	simm.s32 @!p0 $0x3  }
0x288: {  	_ =	swait.ge @!p0 [sflag:s0], s1  }
0x289: {  	s1 =	ssub.s32 @!p0 $0x0, s1;
	[sflag:s0] =	ssyncset.done @!p0 $0x0  }
0x28a: {  	[sflag:s0] =	ssyncadd.s32 @!p0 s1  }
0x28b: {  	[bflag:$0x3] =	sbarrier.arrive $0xFFFF  }
0x28c: {  	_ =	shalt  }

</sc_bundles>
